<compile_context>
chip_gen: v7x
topology: tpu7x:2x2x1
jax: 0.10.2.dev20260603
libtpu: 0.0.44.dev20260713+nightly
codegen_flags: <defaults>
</compile_context>

<pallas_src>
import functools

import jax
import jax.numpy as jnp
from jax import lax
from jax.experimental import pallas as pl
from jax.experimental.pallas import tpu as pltpu
from jax.experimental.pallas import tpu_sc as plsc

_BATCH = 16384
_HIST = 200
_DIM = 64
_TOTAL = _BATCH * _HIST
_NW = 32
_PER_W = _TOTAL // _NW
_CHUNK = 400
_NBUF = 4
_N_CHUNKS = _PER_W // _CHUNK

_mesh = plsc.VectorSubcoreMesh(core_axis_name="c", subcore_axis_name="s")


@functools.partial(
    pl.kernel,
    out_type=jax.ShapeDtypeStruct((_BATCH, _HIST, 2 * _DIM), jnp.float32),
    mesh=_mesh,
    scratch_types=[
        pltpu.VMEM((_NBUF, _CHUNK), jnp.int32),
        pltpu.VMEM((_NBUF, _CHUNK, _DIM), jnp.float32),
    ] + [pltpu.SemaphoreType.DMA] * (3 * _NBUF),
    compiler_params=pltpu.CompilerParams(use_tc_tiling_on_sc=False),
)
def _gather_all(idx_hbm, table_hbm, out_hbm, idx_v, rows_v, *sems):
    isems = sems[0:_NBUF]
    gsems = sems[_NBUF:2 * _NBUF]
    osems = sems[2 * _NBUF:3 * _NBUF]
    wid = lax.axis_index("s") * 2 + lax.axis_index("c")
    base = wid * _PER_W
    last_off = base + (_N_CHUNKS - 1) * _CHUNK

    def idx_copy(g, p):
        off = lax.min(base + g * _CHUNK, last_off)
        return pltpu.make_async_copy(
            idx_hbm.at[pl.ds(off, _CHUNK)], idx_v.at[p], isems[p])

    def gather_copy(p):
        return pltpu.make_async_copy(
            table_hbm.at[idx_v.at[p]], rows_v.at[p], gsems[p])

    def out_copies(g, p):
        b0 = (base + g * _CHUNK) // _HIST
        return [
            pltpu.make_async_copy(
                rows_v.at[p, pl.ds(r * _HIST, _HIST)],
                out_hbm.at[b0 + r, :, pl.ds(0, _DIM)],
                osems[p])
            for r in range(_CHUNK // _HIST)
        ]

    def out_start(g, p):
        for c in out_copies(g, p):
            c.start()

    def out_wait(g, p):
        for c in out_copies(g, p):
            c.wait()

    idx_copy(0, 0).start()
    idx_copy(1, 1).start()

    idx_copy(0, 0).wait()
    gather_copy(0).start()
    idx_copy(2, 2).start()
    idx_copy(1, 1).wait()
    gather_copy(1).start()
    idx_copy(3, 3).start()
    idx_copy(2, 2).wait()
    gather_copy(2).start()
    gather_copy(0).wait()
    out_start(0, 0)
    idx_copy(4, 0).start()
    idx_copy(3, 3).wait()
    gather_copy(3).start()
    gather_copy(1).wait()
    out_start(1, 1)
    idx_copy(5, 1).start()

    def body(t, carry):
        for p in (0, 1, 2, 3):
            g = 4 * t + p
            q = (p + 2) % 4
            out_wait(g - 4, p)
            idx_copy(g, p).wait()
            gather_copy(p).start()
            gather_copy(q).wait()
            out_start(g - 2, q)
            idx_copy(g + 2, q).start()
        return carry

    lax.fori_loop(1, _N_CHUNKS // 4, body, 0)

    g_last = _N_CHUNKS - 1
    gather_copy(2).wait()
    out_start(g_last - 1, 2)
    gather_copy(3).wait()
    out_start(g_last, 3)
    out_wait(g_last - 3, 0)
    out_wait(g_last - 2, 1)
    out_wait(g_last - 1, 2)
    out_wait(g_last, 3)
    idx_copy(_N_CHUNKS, 0).wait()
    idx_copy(_N_CHUNKS + 1, 1).wait()


def kernel(node_ids, embedding_weight):
    idx = node_ids.reshape(_TOTAL).astype(jnp.int32)
    out = _gather_all(idx, embedding_weight)
    return out[:, :, :_DIM]

# --- scband reference (transcript-rebuilt; emitter-appended) ---
"""Pipeline reference for scband-node2-vec-embedder-56573309223267 (READ-ONLY COPY).

The authoritative reference and input builder live on the scoring server;
editing this copy changes nothing except your own understanding.
"""

import jax, jax.numpy as jnp
import numpy as np

NUM_NODES = 1000000
EMBED_DIM = 64
BATCH = 16384
HIST = 200


def setup_inputs(seed: int = 0) -> dict:
    key = jax.random.key(seed)
    k_idx, k_tab = jax.random.split(key)
    node_ids = jax.random.randint(k_idx, (BATCH, HIST), 0, NUM_NODES, dtype=jnp.int64 if jax.config.jax_enable_x64 else jnp.int32)
    # nn.init.uniform_(weight, -0.5, 0.5)
    embedding_weight = jax.random.uniform(k_tab, (NUM_NODES, EMBED_DIM), dtype=jnp.float32, minval=-0.5, maxval=0.5)
    return {"node_ids": node_ids, "embedding_weight": embedding_weight}


def reference(node_ids, embedding_weight):
    # forward: self.embedding(node_ids) -> gather rows from table
    return jnp.take(embedding_weight, node_ids, axis=0)

if __name__ == "__main__":
    import jax
    _d = setup_inputs()
    print(jax.jit(kernel)(*tuple(_d.values())))

</pallas_src>

<mosaic_0001>
#map = affine_map<(d0, d1) -> (0)>
#map1 = affine_map<(d0, d1) -> (0, 0)>
#map2 = affine_map<(d0, d1) -> (0, 0, 0)>
module attributes {stable_mosaic.version = 14 : i64} {
  func.func @_gather_all(%arg0: i32, %arg1: i32, %arg2: memref<3276800xi32, #tpu.memory_space<hbm>>, %arg3: memref<1000000x64xf32, #tpu.memory_space<hbm>>, %arg4: memref<16384x200x128xf32, #tpu.memory_space<hbm>>, %arg5: memref<4x400xi32, #tpu.memory_space<vmem>>, %arg6: memref<4x400x64xf32, #tpu.memory_space<vmem>>, %arg7: memref<!tpu.dma_semaphore, #tpu.memory_space<semaphore_mem>>, %arg8: memref<!tpu.dma_semaphore, #tpu.memory_space<semaphore_mem>>, %arg9: memref<!tpu.dma_semaphore, #tpu.memory_space<semaphore_mem>>, %arg10: memref<!tpu.dma_semaphore, #tpu.memory_space<semaphore_mem>>, %arg11: memref<!tpu.dma_semaphore, #tpu.memory_space<semaphore_mem>>, %arg12: memref<!tpu.dma_semaphore, #tpu.memory_space<semaphore_mem>>, %arg13: memref<!tpu.dma_semaphore, #tpu.memory_space<semaphore_mem>>, %arg14: memref<!tpu.dma_semaphore, #tpu.memory_space<semaphore_mem>>, %arg15: memref<!tpu.dma_semaphore, #tpu.memory_space<semaphore_mem>>, %arg16: memref<!tpu.dma_semaphore, #tpu.memory_space<semaphore_mem>>, %arg17: memref<!tpu.dma_semaphore, #tpu.memory_space<semaphore_mem>>, %arg18: memref<!tpu.dma_semaphore, #tpu.memory_space<semaphore_mem>>) attributes {dimension_semantics = [#tpu.dimension_semantics<core_parallel>, #tpu.dimension_semantics<subcore_parallel>], iteration_bounds = array<i64: 2, 16>, scalar_prefetch = 0 : i64, scratch_operands = 14 : i64, tpu.core_type = #tpu.core_type<sc_vector_subcore>, window_params = [{transform_indices = #map}, {transform_indices = #map1}, {transform_indices = #map2}]} {
    %mul3A = arith.constant 2 : i32
    %mul3A_0 = arith.muli %arg1, %mul3A : i32
    %add3A = arith.addi %mul3A_0, %arg0 : i32
    %mul3A_1 = arith.constant 102400 : i32
    %mul3A_2 = arith.muli %add3A, %mul3A_1 : i32
    %add3A_3 = arith.constant 102000 : i32
    %add3A_4 = arith.addi %mul3A_2, %add3A_3 : i32
    %add3A_5 = arith.constant 0 : i32
    %add3A_6 = arith.addi %mul3A_2, %add3A_5 : i32
    %min3A = arith.minsi %add3A_6, %add3A_4 : i32
    %dma_start3A = arith.constant 0 : i32
    %dma_start3A_7 = arith.constant 0 : i32
    %dma_start3A_8 = tpu.memref_slice %arg5[%dma_start3A, %dma_start3A_7] : memref<4x400xi32, #tpu.memory_space<vmem>> -> memref<1x400xi32, #tpu.memory_space<vmem>>
    %dma_start3A_9 = tpu.memref_squeeze %dma_start3A_8 : memref<1x400xi32, #tpu.memory_space<vmem>> -> memref<400xi32, #tpu.memory_space<vmem>>
    %dma_start3A_10 = tpu.memref_slice %arg2[%min3A] : memref<3276800xi32, #tpu.memory_space<hbm>> -> memref<400xi32, #tpu.memory_space<hbm>>
    %dma_start3A_11 = arith.constant 0 : i32
    %dma_start3A_12 = tpu.memref_slice %arg5[%dma_start3A, %dma_start3A_11] : memref<4x400xi32, #tpu.memory_space<vmem>> -> memref<1x400xi32, #tpu.memory_space<vmem>>
    %dma_start3A_13 = tpu.memref_squeeze %dma_start3A_12 : memref<1x400xi32, #tpu.memory_space<vmem>> -> memref<400xi32, #tpu.memory_space<vmem>>
    %dma_start3A_14 = tpu.memref_slice %arg2[%min3A] : memref<3276800xi32, #tpu.memory_space<hbm>> -> memref<400xi32, #tpu.memory_space<hbm>>
    tpu.enqueue_dma source(%dma_start3A_14 : memref<400xi32, #tpu.memory_space<hbm>>) target(%dma_start3A_13 : memref<400xi32, #tpu.memory_space<vmem>>) target_semaphore(%arg7 : memref<!tpu.dma_semaphore, #tpu.memory_space<semaphore_mem>>)
    %add3A_15 = arith.constant 400 : i32
    %add3A_16 = arith.addi %mul3A_2, %add3A_15 : i32
    %min3A_17 = arith.minsi %add3A_16, %add3A_4 : i32
    %dma_start3A_18 = arith.constant 1 : i32
    %dma_start3A_19 = arith.constant 0 : i32
    %dma_start3A_20 = tpu.memref_slice %arg5[%dma_start3A_18, %dma_start3A_19] : memref<4x400xi32, #tpu.memory_space<vmem>> -> memref<1x400xi32, #tpu.memory_space<vmem>>
    %dma_start3A_21 = tpu.memref_squeeze %dma_start3A_20 : memref<1x400xi32, #tpu.memory_space<vmem>> -> memref<400xi32, #tpu.memory_space<vmem>>
    %dma_start3A_22 = tpu.memref_slice %arg2[%min3A_17] : memref<3276800xi32, #tpu.memory_space<hbm>> -> memref<400xi32, #tpu.memory_space<hbm>>
    %dma_start3A_23 = arith.constant 0 : i32
    %dma_start3A_24 = tpu.memref_slice %arg5[%dma_start3A_18, %dma_start3A_23] : memref<4x400xi32, #tpu.memory_space<vmem>> -> memref<1x400xi32, #tpu.memory_space<vmem>>
    %dma_start3A_25 = tpu.memref_squeeze %dma_start3A_24 : memref<1x400xi32, #tpu.memory_space<vmem>> -> memref<400xi32, #tpu.memory_space<vmem>>
    %dma_start3A_26 = tpu.memref_slice %arg2[%min3A_17] : memref<3276800xi32, #tpu.memory_space<hbm>> -> memref<400xi32, #tpu.memory_space<hbm>>
    tpu.enqueue_dma source(%dma_start3A_26 : memref<400xi32, #tpu.memory_space<hbm>>) target(%dma_start3A_25 : memref<400xi32, #tpu.memory_space<vmem>>) target_semaphore(%arg8 : memref<!tpu.dma_semaphore, #tpu.memory_space<semaphore_mem>>)
    %add3A_27 = arith.constant 0 : i32
    %add3A_28 = arith.addi %mul3A_2, %add3A_27 : i32
    %min3A_29 = arith.minsi %add3A_28, %add3A_4 : i32
    %dma_wait3A = arith.constant 0 : i32
    %dma_wait3A_30 = arith.constant 0 : i32
    %dma_wait3A_31 = tpu.memref_slice %arg5[%dma_wait3A, %dma_wait3A_30] : memref<4x400xi32, #tpu.memory_space<vmem>> -> memref<1x400xi32, #tpu.memory_space<vmem>>
    %dma_wait3A_32 = tpu.memref_squeeze %dma_wait3A_31 : memref<1x400xi32, #tpu.memory_space<vmem>> -> memref<400xi32, #tpu.memory_space<vmem>>
    %dma_wait3A_33 = tpu.memref_slice %arg2[%min3A_29] : memref<3276800xi32, #tpu.memory_space<hbm>> -> memref<400xi32, #tpu.memory_space<hbm>>
    %dma_wait3A_34 = arith.constant 0 : i32
    %dma_wait3A_35 = tpu.memref_slice %arg5[%dma_wait3A, %dma_wait3A_34] : memref<4x400xi32, #tpu.memory_space<vmem>> -> memref<1x400xi32, #tpu.memory_space<vmem>>
    %dma_wait3A_36 = tpu.memref_squeeze %dma_wait3A_35 : memref<1x400xi32, #tpu.memory_space<vmem>> -> memref<400xi32, #tpu.memory_space<vmem>>
    %dma_wait3A_37 = tpu.memref_slice %arg2[%min3A_29] : memref<3276800xi32, #tpu.memory_space<hbm>> -> memref<400xi32, #tpu.memory_space<hbm>>
    tpu.wait_dma2 semaphore(%arg7 : memref<!tpu.dma_semaphore, #tpu.memory_space<semaphore_mem>>) src(%dma_wait3A_37 : memref<400xi32, #tpu.memory_space<hbm>>) dst(%dma_wait3A_36 : memref<400xi32, #tpu.memory_space<vmem>>)
    %dma_start3A_38 = arith.constant 0 : i32
    %dma_start3A_39 = arith.constant 0 : i32
    %dma_start3A_40 = arith.constant 0 : i32
    %dma_start3A_41 = arith.constant 0 : i32
    %dma_start3A_42 = tpu.memref_slice %arg6[%dma_start3A_39, %dma_start3A_40, %dma_start3A_41] : memref<4x400x64xf32, #tpu.memory_space<vmem>> -> memref<1x400x64xf32, #tpu.memory_space<vmem>>
    %dma_start3A_43 = tpu.memref_squeeze %dma_start3A_42 : memref<1x400x64xf32, #tpu.memory_space<vmem>> -> memref<400x64xf32, #tpu.memory_space<vmem>>
    %dma_start3A_44 = arith.constant 0 : i32
    %dma_start3A_45 = tpu.memref_slice %arg5[%dma_start3A_38, %dma_start3A_44] : memref<4x400xi32, #tpu.memory_space<vmem>> -> memref<1x400xi32, #tpu.memory_space<vmem>>
    %dma_start3A_46 = tpu.memref_squeeze %dma_start3A_45 : memref<1x400xi32, #tpu.memory_space<vmem>> -> memref<400xi32, #tpu.memory_space<vmem>>
    %dma_start3A_47 = arith.constant 0 : i32
    %dma_start3A_48 = arith.constant 0 : i32
    %dma_start3A_49 = tpu.memref_slice %arg3[%dma_start3A_47, %dma_start3A_48] : memref<1000000x64xf32, #tpu.memory_space<hbm>> -> memref<1000000x64xf32, #tpu.memory_space<hbm>>
    tpu.enqueue_indirect_dma source(%dma_start3A_49 : memref<1000000x64xf32, #tpu.memory_space<hbm>>) target(%dma_start3A_43 : memref<400x64xf32, #tpu.memory_space<vmem>>) offsets(%dma_start3A_46 : memref<400xi32, #tpu.memory_space<vmem>>) semaphore(%arg11 : memref<!tpu.dma_semaphore, #tpu.memory_space<semaphore_mem>>)
    %add3A_50 = arith.constant 800 : i32
    %add3A_51 = arith.addi %mul3A_2, %add3A_50 : i32
    %min3A_52 = arith.minsi %add3A_51, %add3A_4 : i32
    %dma_start3A_53 = arith.constant 2 : i32
    %dma_start3A_54 = arith.constant 0 : i32
    %dma_start3A_55 = tpu.memref_slice %arg5[%dma_start3A_53, %dma_start3A_54] : memref<4x400xi32, #tpu.memory_space<vmem>> -> memref<1x400xi32, #tpu.memory_space<vmem>>
    %dma_start3A_56 = tpu.memref_squeeze %dma_start3A_55 : memref<1x400xi32, #tpu.memory_space<vmem>> -> memref<400xi32, #tpu.memory_space<vmem>>
    %dma_start3A_57 = tpu.memref_slice %arg2[%min3A_52] : memref<3276800xi32, #tpu.memory_space<hbm>> -> memref<400xi32, #tpu.memory_space<hbm>>
    %dma_start3A_58 = arith.constant 0 : i32
    %dma_start3A_59 = tpu.memref_slice %arg5[%dma_start3A_53, %dma_start3A_58] : memref<4x400xi32, #tpu.memory_space<vmem>> -> memref<1x400xi32, #tpu.memory_space<vmem>>
    %dma_start3A_60 = tpu.memref_squeeze %dma_start3A_59 : memref<1x400xi32, #tpu.memory_space<vmem>> -> memref<400xi32, #tpu.memory_space<vmem>>
    %dma_start3A_61 = tpu.memref_slice %arg2[%min3A_52] : memref<3276800xi32, #tpu.memory_space<hbm>> -> memref<400xi32, #tpu.memory_space<hbm>>
    tpu.enqueue_dma source(%dma_start3A_61 : memref<400xi32, #tpu.memory_space<hbm>>) target(%dma_start3A_60 : memref<400xi32, #tpu.memory_space<vmem>>) target_semaphore(%arg9 : memref<!tpu.dma_semaphore, #tpu.memory_space<semaphore_mem>>)
    %add3A_62 = arith.constant 400 : i32
    %add3A_63 = arith.addi %mul3A_2, %add3A_62 : i32
    %min3A_64 = arith.minsi %add3A_63, %add3A_4 : i32
    %dma_wait3A_65 = arith.constant 1 : i32
    %dma_wait3A_66 = arith.constant 0 : i32
    %dma_wait3A_67 = tpu.memref_slice %arg5[%dma_wait3A_65, %dma_wait3A_66] : memref<4x400xi32, #tpu.memory_space<vmem>> -> memref<1x400xi32, #tpu.memory_space<vmem>>
    %dma_wait3A_68 = tpu.memref_squeeze %dma_wait3A_67 : memref<1x400xi32, #tpu.memory_space<vmem>> -> memref<400xi32, #tpu.memory_space<vmem>>
    %dma_wait3A_69 = tpu.memref_slice %arg2[%min3A_64] : memref<3276800xi32, #tpu.memory_space<hbm>> -> memref<400xi32, #tpu.memory_space<hbm>>
    %dma_wait3A_70 = arith.constant 0 : i32
    %dma_wait3A_71 = tpu.memref_slice %arg5[%dma_wait3A_65, %dma_wait3A_70] : memref<4x400xi32, #tpu.memory_space<vmem>> -> memref<1x400xi32, #tpu.memory_space<vmem>>
    %dma_wait3A_72 = tpu.memref_squeeze %dma_wait3A_71 : memref<1x400xi32, #tpu.memory_space<vmem>> -> memref<400xi32, #tpu.memory_space<vmem>>
    %dma_wait3A_73 = tpu.memref_slice %arg2[%min3A_64] : memref<3276800xi32, #tpu.memory_space<hbm>> -> memref<400xi32, #tpu.memory_space<hbm>>
    tpu.wait_dma2 semaphore(%arg8 : memref<!tpu.dma_semaphore, #tpu.memory_space<semaphore_mem>>) src(%dma_wait3A_73 : memref<400xi32, #tpu.memory_space<hbm>>) dst(%dma_wait3A_72 : memref<400xi32, #tpu.memory_space<vmem>>)
    %dma_start3A_74 = arith.constant 1 : i32
    %dma_start3A_75 = arith.constant 1 : i32
    %dma_start3A_76 = arith.constant 0 : i32
    %dma_start3A_77 = arith.constant 0 : i32
    %dma_start3A_78 = tpu.memref_slice %arg6[%dma_start3A_75, %dma_start3A_76, %dma_start3A_77] : memref<4x400x64xf32, #tpu.memory_space<vmem>> -> memref<1x400x64xf32, #tpu.memory_space<vmem>>
    %dma_start3A_79 = tpu.memref_squeeze %dma_start3A_78 : memref<1x400x64xf32, #tpu.memory_space<vmem>> -> memref<400x64xf32, #tpu.memory_space<vmem>>
    %dma_start3A_80 = arith.constant 0 : i32
    %dma_start3A_81 = tpu.memref_slice %arg5[%dma_start3A_74, %dma_start3A_80] : memref<4x400xi32, #tpu.memory_space<vmem>> -> memref<1x400xi32, #tpu.memory_space<vmem>>
    %dma_start3A_82 = tpu.memref_squeeze %dma_start3A_81 : memref<1x400xi32, #tpu.memory_space<vmem>> -> memref<400xi32, #tpu.memory_space<vmem>>
    %dma_start3A_83 = arith.constant 0 : i32
    %dma_start3A_84 = arith.constant 0 : i32
    %dma_start3A_85 = tpu.memref_slice %arg3[%dma_start3A_83, %dma_start3A_84] : memref<1000000x64xf32, #tpu.memory_space<hbm>> -> memref<1000000x64xf32, #tpu.memory_space<hbm>>
    tpu.enqueue_indirect_dma source(%dma_start3A_85 : memref<1000000x64xf32, #tpu.memory_space<hbm>>) target(%dma_start3A_79 : memref<400x64xf32, #tpu.memory_space<vmem>>) offsets(%dma_start3A_82 : memref<400xi32, #tpu.memory_space<vmem>>) semaphore(%arg12 : memref<!tpu.dma_semaphore, #tpu.memory_space<semaphore_mem>>)
    %add3A_86 = arith.constant 1200 : i32
    %add3A_87 = arith.addi %mul3A_2, %add3A_86 : i32
    %min3A_88 = arith.minsi %add3A_87, %add3A_4 : i32
    %dma_start3A_89 = arith.constant 3 : i32
    %dma_start3A_90 = arith.constant 0 : i32
    %dma_start3A_91 = tpu.memref_slice %arg5[%dma_start3A_89, %dma_start3A_90] : memref<4x400xi32, #tpu.memory_space<vmem>> -> memref<1x400xi32, #tpu.memory_space<vmem>>
    %dma_start3A_92 = tpu.memref_squeeze %dma_start3A_91 : memref<1x400xi32, #tpu.memory_space<vmem>> -> memref<400xi32, #tpu.memory_space<vmem>>
    %dma_start3A_93 = tpu.memref_slice %arg2[%min3A_88] : memref<3276800xi32, #tpu.memory_space<hbm>> -> memref<400xi32, #tpu.memory_space<hbm>>
    %dma_start3A_94 = arith.constant 0 : i32
    %dma_start3A_95 = tpu.memref_slice %arg5[%dma_start3A_89, %dma_start3A_94] : memref<4x400xi32, #tpu.memory_space<vmem>> -> memref<1x400xi32, #tpu.memory_space<vmem>>
    %dma_start3A_96 = tpu.memref_squeeze %dma_start3A_95 : memref<1x400xi32, #tpu.memory_space<vmem>> -> memref<400xi32, #tpu.memory_space<vmem>>
    %dma_start3A_97 = tpu.memref_slice %arg2[%min3A_88] : memref<3276800xi32, #tpu.memory_space<hbm>> -> memref<400xi32, #tpu.memory_space<hbm>>
    tpu.enqueue_dma source(%dma_start3A_97 : memref<400xi32, #tpu.memory_space<hbm>>) target(%dma_start3A_96 : memref<400xi32, #tpu.memory_space<vmem>>) target_semaphore(%arg10 : memref<!tpu.dma_semaphore, #tpu.memory_space<semaphore_mem>>)
    %add3A_98 = arith.constant 800 : i32
    %add3A_99 = arith.addi %mul3A_2, %add3A_98 : i32
    %min3A_100 = arith.minsi %add3A_99, %add3A_4 : i32
    %dma_wait3A_101 = arith.constant 2 : i32
    %dma_wait3A_102 = arith.constant 0 : i32
    %dma_wait3A_103 = tpu.memref_slice %arg5[%dma_wait3A_101, %dma_wait3A_102] : memref<4x400xi32, #tpu.memory_space<vmem>> -> memref<1x400xi32, #tpu.memory_space<vmem>>
    %dma_wait3A_104 = tpu.memref_squeeze %dma_wait3A_103 : memref<1x400xi32, #tpu.memory_space<vmem>> -> memref<400xi32, #tpu.memory_space<vmem>>
    %dma_wait3A_105 = tpu.memref_slice %arg2[%min3A_100] : memref<3276800xi32, #tpu.memory_space<hbm>> -> memref<400xi32, #tpu.memory_space<hbm>>
    %dma_wait3A_106 = arith.constant 0 : i32
    %dma_wait3A_107 = tpu.memref_slice %arg5[%dma_wait3A_101, %dma_wait3A_106] : memref<4x400xi32, #tpu.memory_space<vmem>> -> memref<1x400xi32, #tpu.memory_space<vmem>>
    %dma_wait3A_108 = tpu.memref_squeeze %dma_wait3A_107 : memref<1x400xi32, #tpu.memory_space<vmem>> -> memref<400xi32, #tpu.memory_space<vmem>>
    %dma_wait3A_109 = tpu.memref_slice %arg2[%min3A_100] : memref<3276800xi32, #tpu.memory_space<hbm>> -> memref<400xi32, #tpu.memory_space<hbm>>
    tpu.wait_dma2 semaphore(%arg9 : memref<!tpu.dma_semaphore, #tpu.memory_space<semaphore_mem>>) src(%dma_wait3A_109 : memref<400xi32, #tpu.memory_space<hbm>>) dst(%dma_wait3A_108 : memref<400xi32, #tpu.memory_space<vmem>>)
    %dma_start3A_110 = arith.constant 2 : i32
    %dma_start3A_111 = arith.constant 2 : i32
    %dma_start3A_112 = arith.constant 0 : i32
    %dma_start3A_113 = arith.constant 0 : i32
    %dma_start3A_114 = tpu.memref_slice %arg6[%dma_start3A_111, %dma_start3A_112, %dma_start3A_113] : memref<4x400x64xf32, #tpu.memory_space<vmem>> -> memref<1x400x64xf32, #tpu.memory_space<vmem>>
    %dma_start3A_115 = tpu.memref_squeeze %dma_start3A_114 : memref<1x400x64xf32, #tpu.memory_space<vmem>> -> memref<400x64xf32, #tpu.memory_space<vmem>>
    %dma_start3A_116 = arith.constant 0 : i32
    %dma_start3A_117 = tpu.memref_slice %arg5[%dma_start3A_110, %dma_start3A_116] : memref<4x400xi32, #tpu.memory_space<vmem>> -> memref<1x400xi32, #tpu.memory_space<vmem>>
    %dma_start3A_118 = tpu.memref_squeeze %dma_start3A_117 : memref<1x400xi32, #tpu.memory_space<vmem>> -> memref<400xi32, #tpu.memory_space<vmem>>
    %dma_start3A_119 = arith.constant 0 : i32
    %dma_start3A_120 = arith.constant 0 : i32
    %dma_start3A_121 = tpu.memref_slice %arg3[%dma_start3A_119, %dma_start3A_120] : memref<1000000x64xf32, #tpu.memory_space<hbm>> -> memref<1000000x64xf32, #tpu.memory_space<hbm>>
    tpu.enqueue_indirect_dma source(%dma_start3A_121 : memref<1000000x64xf32, #tpu.memory_space<hbm>>) target(%dma_start3A_115 : memref<400x64xf32, #tpu.memory_space<vmem>>) offsets(%dma_start3A_118 : memref<400xi32, #tpu.memory_space<vmem>>) semaphore(%arg13 : memref<!tpu.dma_semaphore, #tpu.memory_space<semaphore_mem>>)
    %dma_wait3A_122 = arith.constant 0 : i32
    %dma_wait3A_123 = arith.constant 0 : i32
    %dma_wait3A_124 = arith.constant 0 : i32
    %dma_wait3A_125 = arith.constant 0 : i32
    %dma_wait3A_126 = tpu.memref_slice %arg6[%dma_wait3A_123, %dma_wait3A_124, %dma_wait3A_125] : memref<4x400x64xf32, #tpu.memory_space<vmem>> -> memref<1x400x64xf32, #tpu.memory_space<vmem>>
    %dma_wait3A_127 = tpu.memref_squeeze %dma_wait3A_126 : memref<1x400x64xf32, #tpu.memory_space<vmem>> -> memref<400x64xf32, #tpu.memory_space<vmem>>
    %dma_wait3A_128 = arith.constant 0 : i32
    %dma_wait3A_129 = tpu.memref_slice %arg5[%dma_wait3A_122, %dma_wait3A_128] : memref<4x400xi32, #tpu.memory_space<vmem>> -> memref<1x400xi32, #tpu.memory_space<vmem>>
    %dma_wait3A_130 = tpu.memref_squeeze %dma_wait3A_129 : memref<1x400xi32, #tpu.memory_space<vmem>> -> memref<400xi32, #tpu.memory_space<vmem>>
    %dma_wait3A_131 = arith.constant 0 : i32
    %dma_wait3A_132 = arith.constant 0 : i32
    %dma_wait3A_133 = tpu.memref_slice %arg3[%dma_wait3A_131, %dma_wait3A_132] : memref<1000000x64xf32, #tpu.memory_space<hbm>> -> memref<1000000x64xf32, #tpu.memory_space<hbm>>
    tpu.wait_indirect_dma semaphore(%arg11 : memref<!tpu.dma_semaphore, #tpu.memory_space<semaphore_mem>>) src(%dma_wait3A_133 : memref<1000000x64xf32, #tpu.memory_space<hbm>>) dst(%dma_wait3A_127 : memref<400x64xf32, #tpu.memory_space<vmem>>)
    %add3A_134 = arith.constant 0 : i32
    %add3A_135 = arith.addi %mul3A_2, %add3A_134 : i32
    %jit3A = arith.constant 200 : i32
    %div3A = arith.divsi %add3A_135, %jit3A : i32
    %sign3A = arith.constant 0 : i32
    %sign3A_136 = arith.cmpi sgt, %add3A_135, %sign3A : i32
    %sign3A_137 = arith.extui %sign3A_136 : i1 to i32
    %sign3A_138 = arith.constant 0 : i32
    %sign3A_139 = arith.cmpi slt, %add3A_135, %sign3A_138 : i32
    %sign3A_140 = arith.extui %sign3A_139 : i1 to i32
    %sign3A_141 = arith.subi %sign3A_137, %sign3A_140 : i32
    %sign3A_142 = arith.constant 0 : i32
    %sign3A_143 = arith.cmpi sgt, %jit3A, %sign3A_142 : i32
    %sign3A_144 = arith.extui %sign3A_143 : i1 to i32
    %sign3A_145 = arith.constant 0 : i32
    %sign3A_146 = arith.cmpi slt, %jit3A, %sign3A_145 : i32
    %sign3A_147 = arith.extui %sign3A_146 : i1 to i32
    %sign3A_148 = arith.subi %sign3A_144, %sign3A_147 : i32
    %ne3A = arith.cmpi ne, %sign3A_141, %sign3A_148 : i32
    %rem3A = arith.remsi %add3A_135, %jit3A : i32
    %ne3A_149 = arith.constant 0 : i32
    %ne3A_150 = arith.cmpi ne, %rem3A, %ne3A_149 : i32
    %and3A = arith.andi %ne3A, %ne3A_150 : i1
    %sub3A = arith.constant 1 : i32
    %sub3A_151 = arith.subi %div3A, %sub3A : i32
    %select_n3A = arith.select %and3A, %sub3A_151, %div3A : i32
    %add3A_152 = arith.constant 0 : i32
    %add3A_153 = arith.addi %select_n3A, %add3A_152 : i32
    %add3A_154 = arith.constant 1 : i32
    %add3A_155 = arith.addi %select_n3A, %add3A_154 : i32
    %dma_start3A_156 = arith.constant 0 : i32
    %dma_start3A_157 = arith.constant 0 : i32
    %dma_start3A_158 = arith.constant 0 : i32
    %dma_start3A_159 = tpu.memref_slice %arg6[%dma_start3A_156, %dma_start3A_157, %dma_start3A_158] : memref<4x400x64xf32, #tpu.memory_space<vmem>> -> memref<1x200x64xf32, #tpu.memory_space<vmem>>
    %dma_start3A_160 = tpu.memref_squeeze %dma_start3A_159 : memref<1x200x64xf32, #tpu.memory_space<vmem>> -> memref<200x64xf32, #tpu.memory_space<vmem>>
    %dma_start3A_161 = arith.constant 0 : i32
    %dma_start3A_162 = arith.constant 0 : i32
    %dma_start3A_163 = tpu.memref_slice %arg4[%add3A_153, %dma_start3A_161, %dma_start3A_162] : memref<16384x200x128xf32, #tpu.memory_space<hbm>> -> memref<1x200x64xf32, #tpu.memory_space<hbm>>
    %dma_start3A_164 = tpu.memref_squeeze %dma_start3A_163 : memref<1x200x64xf32, #tpu.memory_space<hbm>> -> memref<200x64xf32, #tpu.memory_space<hbm>>
    %dma_start3A_165 = arith.constant 0 : i32
    %dma_start3A_166 = arith.constant 0 : i32
    %dma_start3A_167 = tpu.memref_slice %arg4[%add3A_153, %dma_start3A_165, %dma_start3A_166] : memref<16384x200x128xf32, #tpu.memory_space<hbm>> -> memref<1x200x64xf32, #tpu.memory_space<hbm>>
    %dma_start3A_168 = tpu.memref_squeeze %dma_start3A_167 : memref<1x200x64xf32, #tpu.memory_space<hbm>> -> memref<200x64xf32, #tpu.memory_space<hbm>>
    %dma_start3A_169 = arith.constant 0 : i32
    %dma_start3A_170 = arith.constant 0 : i32
    %dma_start3A_171 = tpu.memref_slice %arg6[%dma_start3A_156, %dma_start3A_169, %dma_start3A_170] : memref<4x400x64xf32, #tpu.memory_space<vmem>> -> memref<1x200x64xf32, #tpu.memory_space<vmem>>
    %dma_start3A_172 = tpu.memref_squeeze %dma_start3A_171 : memref<1x200x64xf32, #tpu.memory_space<vmem>> -> memref<200x64xf32, #tpu.memory_space<vmem>>
    tpu.enqueue_dma source(%dma_start3A_172 : memref<200x64xf32, #tpu.memory_space<vmem>>) target(%dma_start3A_168 : memref<200x64xf32, #tpu.memory_space<hbm>>) target_semaphore(%arg15 : memref<!tpu.dma_semaphore, #tpu.memory_space<semaphore_mem>>)
    %dma_start3A_173 = arith.constant 0 : i32
    %dma_start3A_174 = arith.constant 200 : i32
    %dma_start3A_175 = arith.constant 0 : i32
    %dma_start3A_176 = tpu.memref_slice %arg6[%dma_start3A_173, %dma_start3A_174, %dma_start3A_175] : memref<4x400x64xf32, #tpu.memory_space<vmem>> -> memref<1x200x64xf32, #tpu.memory_space<vmem>>
    %dma_start3A_177 = tpu.memref_squeeze %dma_start3A_176 : memref<1x200x64xf32, #tpu.memory_space<vmem>> -> memref<200x64xf32, #tpu.memory_space<vmem>>
    %dma_start3A_178 = arith.constant 0 : i32
    %dma_start3A_179 = arith.constant 0 : i32
    %dma_start3A_180 = tpu.memref_slice %arg4[%add3A_155, %dma_start3A_178, %dma_start3A_179] : memref<16384x200x128xf32, #tpu.memory_space<hbm>> -> memref<1x200x64xf32, #tpu.memory_space<hbm>>
    %dma_start3A_181 = tpu.memref_squeeze %dma_start3A_180 : memref<1x200x64xf32, #tpu.memory_space<hbm>> -> memref<200x64xf32, #tpu.memory_space<hbm>>
    %dma_start3A_182 = arith.constant 0 : i32
    %dma_start3A_183 = arith.constant 0 : i32
    %dma_start3A_184 = tpu.memref_slice %arg4[%add3A_155, %dma_start3A_182, %dma_start3A_183] : memref<16384x200x128xf32, #tpu.memory_space<hbm>> -> memref<1x200x64xf32, #tpu.memory_space<hbm>>
    %dma_start3A_185 = tpu.memref_squeeze %dma_start3A_184 : memref<1x200x64xf32, #tpu.memory_space<hbm>> -> memref<200x64xf32, #tpu.memory_space<hbm>>
    %dma_start3A_186 = arith.constant 200 : i32
    %dma_start3A_187 = arith.constant 0 : i32
    %dma_start3A_188 = tpu.memref_slice %arg6[%dma_start3A_173, %dma_start3A_186, %dma_start3A_187] : memref<4x400x64xf32, #tpu.memory_space<vmem>> -> memref<1x200x64xf32, #tpu.memory_space<vmem>>
    %dma_start3A_189 = tpu.memref_squeeze %dma_start3A_188 : memref<1x200x64xf32, #tpu.memory_space<vmem>> -> memref<200x64xf32, #tpu.memory_space<vmem>>
    tpu.enqueue_dma source(%dma_start3A_189 : memref<200x64xf32, #tpu.memory_space<vmem>>) target(%dma_start3A_185 : memref<200x64xf32, #tpu.memory_space<hbm>>) target_semaphore(%arg15 : memref<!tpu.dma_semaphore, #tpu.memory_space<semaphore_mem>>)
    %add3A_190 = arith.constant 1600 : i32
    %add3A_191 = arith.addi %mul3A_2, %add3A_190 : i32
    %min3A_192 = arith.minsi %add3A_191, %add3A_4 : i32
    %dma_start3A_193 = arith.constant 0 : i32
    %dma_start3A_194 = arith.constant 0 : i32
    %dma_start3A_195 = tpu.memref_slice %arg5[%dma_start3A_193, %dma_start3A_194] : memref<4x400xi32, #tpu.memory_space<vmem>> -> memref<1x400xi32, #tpu.memory_space<vmem>>
    %dma_start3A_196 = tpu.memref_squeeze %dma_start3A_195 : memref<1x400xi32, #tpu.memory_space<vmem>> -> memref<400xi32, #tpu.memory_space<vmem>>
    %dma_start3A_197 = tpu.memref_slice %arg2[%min3A_192] : memref<3276800xi32, #tpu.memory_space<hbm>> -> memref<400xi32, #tpu.memory_space<hbm>>
    %dma_start3A_198 = arith.constant 0 : i32
    %dma_start3A_199 = tpu.memref_slice %arg5[%dma_start3A_193, %dma_start3A_198] : memref<4x400xi32, #tpu.memory_space<vmem>> -> memref<1x400xi32, #tpu.memory_space<vmem>>
    %dma_start3A_200 = tpu.memref_squeeze %dma_start3A_199 : memref<1x400xi32, #tpu.memory_space<vmem>> -> memref<400xi32, #tpu.memory_space<vmem>>
    %dma_start3A_201 = tpu.memref_slice %arg2[%min3A_192] : memref<3276800xi32, #tpu.memory_space<hbm>> -> memref<400xi32, #tpu.memory_space<hbm>>
    tpu.enqueue_dma source(%dma_start3A_201 : memref<400xi32, #tpu.memory_space<hbm>>) target(%dma_start3A_200 : memref<400xi32, #tpu.memory_space<vmem>>) target_semaphore(%arg7 : memref<!tpu.dma_semaphore, #tpu.memory_space<semaphore_mem>>)
    %add3A_202 = arith.constant 1200 : i32
    %add3A_203 = arith.addi %mul3A_2, %add3A_202 : i32
    %min3A_204 = arith.minsi %add3A_203, %add3A_4 : i32
    %dma_wait3A_205 = arith.constant 3 : i32
    %dma_wait3A_206 = arith.constant 0 : i32
    %dma_wait3A_207 = tpu.memref_slice %arg5[%dma_wait3A_205, %dma_wait3A_206] : memref<4x400xi32, #tpu.memory_space<vmem>> -> memref<1x400xi32, #tpu.memory_space<vmem>>
    %dma_wait3A_208 = tpu.memref_squeeze %dma_wait3A_207 : memref<1x400xi32, #tpu.memory_space<vmem>> -> memref<400xi32, #tpu.memory_space<vmem>>
    %dma_wait3A_209 = tpu.memref_slice %arg2[%min3A_204] : memref<3276800xi32, #tpu.memory_space<hbm>> -> memref<400xi32, #tpu.memory_space<hbm>>
    %dma_wait3A_210 = arith.constant 0 : i32
    %dma_wait3A_211 = tpu.memref_slice %arg5[%dma_wait3A_205, %dma_wait3A_210] : memref<4x400xi32, #tpu.memory_space<vmem>> -> memref<1x400xi32, #tpu.memory_space<vmem>>
    %dma_wait3A_212 = tpu.memref_squeeze %dma_wait3A_211 : memref<1x400xi32, #tpu.memory_space<vmem>> -> memref<400xi32, #tpu.memory_space<vmem>>
    %dma_wait3A_213 = tpu.memref_slice %arg2[%min3A_204] : memref<3276800xi32, #tpu.memory_space<hbm>> -> memref<400xi32, #tpu.memory_space<hbm>>
    tpu.wait_dma2 semaphore(%arg10 : memref<!tpu.dma_semaphore, #tpu.memory_space<semaphore_mem>>) src(%dma_wait3A_213 : memref<400xi32, #tpu.memory_space<hbm>>) dst(%dma_wait3A_212 : memref<400xi32, #tpu.memory_space<vmem>>)
    %dma_start3A_214 = arith.constant 3 : i32
    %dma_start3A_215 = arith.constant 3 : i32
    %dma_start3A_216 = arith.constant 0 : i32
    %dma_start3A_217 = arith.constant 0 : i32
    %dma_start3A_218 = tpu.memref_slice %arg6[%dma_start3A_215, %dma_start3A_216, %dma_start3A_217] : memref<4x400x64xf32, #tpu.memory_space<vmem>> -> memref<1x400x64xf32, #tpu.memory_space<vmem>>
    %dma_start3A_219 = tpu.memref_squeeze %dma_start3A_218 : memref<1x400x64xf32, #tpu.memory_space<vmem>> -> memref<400x64xf32, #tpu.memory_space<vmem>>
    %dma_start3A_220 = arith.constant 0 : i32
    %dma_start3A_221 = tpu.memref_slice %arg5[%dma_start3A_214, %dma_start3A_220] : memref<4x400xi32, #tpu.memory_space<vmem>> -> memref<1x400xi32, #tpu.memory_space<vmem>>
    %dma_start3A_222 = tpu.memref_squeeze %dma_start3A_221 : memref<1x400xi32, #tpu.memory_space<vmem>> -> memref<400xi32, #tpu.memory_space<vmem>>
    %dma_start3A_223 = arith.constant 0 : i32
    %dma_start3A_224 = arith.constant 0 : i32
    %dma_start3A_225 = tpu.memref_slice %arg3[%dma_start3A_223, %dma_start3A_224] : memref<1000000x64xf32, #tpu.memory_space<hbm>> -> memref<1000000x64xf32, #tpu.memory_space<hbm>>
    tpu.enqueue_indirect_dma source(%dma_start3A_225 : memref<1000000x64xf32, #tpu.memory_space<hbm>>) target(%dma_start3A_219 : memref<400x64xf32, #tpu.memory_space<vmem>>) offsets(%dma_start3A_222 : memref<400xi32, #tpu.memory_space<vmem>>) semaphore(%arg14 : memref<!tpu.dma_semaphore, #tpu.memory_space<semaphore_mem>>)
    %dma_wait3A_226 = arith.constant 1 : i32
    %dma_wait3A_227 = arith.constant 1 : i32
    %dma_wait3A_228 = arith.constant 0 : i32
    %dma_wait3A_229 = arith.constant 0 : i32
    %dma_wait3A_230 = tpu.memref_slice %arg6[%dma_wait3A_227, %dma_wait3A_228, %dma_wait3A_229] : memref<4x400x64xf32, #tpu.memory_space<vmem>> -> memref<1x400x64xf32, #tpu.memory_space<vmem>>
    %dma_wait3A_231 = tpu.memref_squeeze %dma_wait3A_230 : memref<1x400x64xf32, #tpu.memory_space<vmem>> -> memref<400x64xf32, #tpu.memory_space<vmem>>
    %dma_wait3A_232 = arith.constant 0 : i32
    %dma_wait3A_233 = tpu.memref_slice %arg5[%dma_wait3A_226, %dma_wait3A_232] : memref<4x400xi32, #tpu.memory_space<vmem>> -> memref<1x400xi32, #tpu.memory_space<vmem>>
    %dma_wait3A_234 = tpu.memref_squeeze %dma_wait3A_233 : memref<1x400xi32, #tpu.memory_space<vmem>> -> memref<400xi32, #tpu.memory_space<vmem>>
    %dma_wait3A_235 = arith.constant 0 : i32
    %dma_wait3A_236 = arith.constant 0 : i32
    %dma_wait3A_237 = tpu.memref_slice %arg3[%dma_wait3A_235, %dma_wait3A_236] : memref<1000000x64xf32, #tpu.memory_space<hbm>> -> memref<1000000x64xf32, #tpu.memory_space<hbm>>
    tpu.wait_indirect_dma semaphore(%arg12 : memref<!tpu.dma_semaphore, #tpu.memory_space<semaphore_mem>>) src(%dma_wait3A_237 : memref<1000000x64xf32, #tpu.memory_space<hbm>>) dst(%dma_wait3A_231 : memref<400x64xf32, #tpu.memory_space<vmem>>)
    %add3A_238 = arith.constant 400 : i32
    %add3A_239 = arith.addi %mul3A_2, %add3A_238 : i32
    %jit3A_240 = arith.constant 200 : i32
    %div3A_241 = arith.divsi %add3A_239, %jit3A_240 : i32
    %sign3A_242 = arith.constant 0 : i32
    %sign3A_243 = arith.cmpi sgt, %add3A_239, %sign3A_242 : i32
    %sign3A_244 = arith.extui %sign3A_243 : i1 to i32
    %sign3A_245 = arith.constant 0 : i32
    %sign3A_246 = arith.cmpi slt, %add3A_239, %sign3A_245 : i32
    %sign3A_247 = arith.extui %sign3A_246 : i1 to i32
    %sign3A_248 = arith.subi %sign3A_244, %sign3A_247 : i32
    %sign3A_249 = arith.constant 0 : i32
    %sign3A_250 = arith.cmpi sgt, %jit3A_240, %sign3A_249 : i32
    %sign3A_251 = arith.extui %sign3A_250 : i1 to i32
    %sign3A_252 = arith.constant 0 : i32
    %sign3A_253 = arith.cmpi slt, %jit3A_240, %sign3A_252 : i32
    %sign3A_254 = arith.extui %sign3A_253 : i1 to i32
    %sign3A_255 = arith.subi %sign3A_251, %sign3A_254 : i32
    %ne3A_256 = arith.cmpi ne, %sign3A_248, %sign3A_255 : i32
    %rem3A_257 = arith.remsi %add3A_239, %jit3A_240 : i32
    %ne3A_258 = arith.constant 0 : i32
    %ne3A_259 = arith.cmpi ne, %rem3A_257, %ne3A_258 : i32
    %and3A_260 = arith.andi %ne3A_256, %ne3A_259 : i1
    %sub3A_261 = arith.constant 1 : i32
    %sub3A_262 = arith.subi %div3A_241, %sub3A_261 : i32
    %select_n3A_263 = arith.select %and3A_260, %sub3A_262, %div3A_241 : i32
    %add3A_264 = arith.constant 0 : i32
    %add3A_265 = arith.addi %select_n3A_263, %add3A_264 : i32
    %add3A_266 = arith.constant 1 : i32
    %add3A_267 = arith.addi %select_n3A_263, %add3A_266 : i32
    %dma_start3A_268 = arith.constant 1 : i32
    %dma_start3A_269 = arith.constant 0 : i32
    %dma_start3A_270 = arith.constant 0 : i32
    %dma_start3A_271 = tpu.memref_slice %arg6[%dma_start3A_268, %dma_start3A_269, %dma_start3A_270] : memref<4x400x64xf32, #tpu.memory_space<vmem>> -> memref<1x200x64xf32, #tpu.memory_space<vmem>>
    %dma_start3A_272 = tpu.memref_squeeze %dma_start3A_271 : memref<1x200x64xf32, #tpu.memory_space<vmem>> -> memref<200x64xf32, #tpu.memory_space<vmem>>
    %dma_start3A_273 = arith.constant 0 : i32
    %dma_start3A_274 = arith.constant 0 : i32
    %dma_start3A_275 = tpu.memref_slice %arg4[%add3A_265, %dma_start3A_273, %dma_start3A_274] : memref<16384x200x128xf32, #tpu.memory_space<hbm>> -> memref<1x200x64xf32, #tpu.memory_space<hbm>>
    %dma_start3A_276 = tpu.memref_squeeze %dma_start3A_275 : memref<1x200x64xf32, #tpu.memory_space<hbm>> -> memref<200x64xf32, #tpu.memory_space<hbm>>
    %dma_start3A_277 = arith.constant 0 : i32
    %dma_start3A_278 = arith.constant 0 : i32
    %dma_start3A_279 = tpu.memref_slice %arg4[%add3A_265, %dma_start3A_277, %dma_start3A_278] : memref<16384x200x128xf32, #tpu.memory_space<hbm>> -> memref<1x200x64xf32, #tpu.memory_space<hbm>>
    %dma_start3A_280 = tpu.memref_squeeze %dma_start3A_279 : memref<1x200x64xf32, #tpu.memory_space<hbm>> -> memref<200x64xf32, #tpu.memory_space<hbm>>
    %dma_start3A_281 = arith.constant 0 : i32
    %dma_start3A_282 = arith.constant 0 : i32
    %dma_start3A_283 = tpu.memref_slice %arg6[%dma_start3A_268, %dma_start3A_281, %dma_start3A_282] : memref<4x400x64xf32, #tpu.memory_space<vmem>> -> memref<1x200x64xf32, #tpu.memory_space<vmem>>
    %dma_start3A_284 = tpu.memref_squeeze %dma_start3A_283 : memref<1x200x64xf32, #tpu.memory_space<vmem>> -> memref<200x64xf32, #tpu.memory_space<vmem>>
    tpu.enqueue_dma source(%dma_start3A_284 : memref<200x64xf32, #tpu.memory_space<vmem>>) target(%dma_start3A_280 : memref<200x64xf32, #tpu.memory_space<hbm>>) target_semaphore(%arg16 : memref<!tpu.dma_semaphore, #tpu.memory_space<semaphore_mem>>)
    %dma_start3A_285 = arith.constant 1 : i32
    %dma_start3A_286 = arith.constant 200 : i32
    %dma_start3A_287 = arith.constant 0 : i32
    %dma_start3A_288 = tpu.memref_slice %arg6[%dma_start3A_285, %dma_start3A_286, %dma_start3A_287] : memref<4x400x64xf32, #tpu.memory_space<vmem>> -> memref<1x200x64xf32, #tpu.memory_space<vmem>>
    %dma_start3A_289 = tpu.memref_squeeze %dma_start3A_288 : memref<1x200x64xf32, #tpu.memory_space<vmem>> -> memref<200x64xf32, #tpu.memory_space<vmem>>
    %dma_start3A_290 = arith.constant 0 : i32
    %dma_start3A_291 = arith.constant 0 : i32
    %dma_start3A_292 = tpu.memref_slice %arg4[%add3A_267, %dma_start3A_290, %dma_start3A_291] : memref<16384x200x128xf32, #tpu.memory_space<hbm>> -> memref<1x200x64xf32, #tpu.memory_space<hbm>>
    %dma_start3A_293 = tpu.memref_squeeze %dma_start3A_292 : memref<1x200x64xf32, #tpu.memory_space<hbm>> -> memref<200x64xf32, #tpu.memory_space<hbm>>
    %dma_start3A_294 = arith.constant 0 : i32
    %dma_start3A_295 = arith.constant 0 : i32
    %dma_start3A_296 = tpu.memref_slice %arg4[%add3A_267, %dma_start3A_294, %dma_start3A_295] : memref<16384x200x128xf32, #tpu.memory_space<hbm>> -> memref<1x200x64xf32, #tpu.memory_space<hbm>>
    %dma_start3A_297 = tpu.memref_squeeze %dma_start3A_296 : memref<1x200x64xf32, #tpu.memory_space<hbm>> -> memref<200x64xf32, #tpu.memory_space<hbm>>
    %dma_start3A_298 = arith.constant 200 : i32
    %dma_start3A_299 = arith.constant 0 : i32
    %dma_start3A_300 = tpu.memref_slice %arg6[%dma_start3A_285, %dma_start3A_298, %dma_start3A_299] : memref<4x400x64xf32, #tpu.memory_space<vmem>> -> memref<1x200x64xf32, #tpu.memory_space<vmem>>
    %dma_start3A_301 = tpu.memref_squeeze %dma_start3A_300 : memref<1x200x64xf32, #tpu.memory_space<vmem>> -> memref<200x64xf32, #tpu.memory_space<vmem>>
    tpu.enqueue_dma source(%dma_start3A_301 : memref<200x64xf32, #tpu.memory_space<vmem>>) target(%dma_start3A_297 : memref<200x64xf32, #tpu.memory_space<hbm>>) target_semaphore(%arg16 : memref<!tpu.dma_semaphore, #tpu.memory_space<semaphore_mem>>)
    %add3A_302 = arith.constant 2000 : i32
    %add3A_303 = arith.addi %mul3A_2, %add3A_302 : i32
    %min3A_304 = arith.minsi %add3A_303, %add3A_4 : i32
    %dma_start3A_305 = arith.constant 1 : i32
    %dma_start3A_306 = arith.constant 0 : i32
    %dma_start3A_307 = tpu.memref_slice %arg5[%dma_start3A_305, %dma_start3A_306] : memref<4x400xi32, #tpu.memory_space<vmem>> -> memref<1x400xi32, #tpu.memory_space<vmem>>
    %dma_start3A_308 = tpu.memref_squeeze %dma_start3A_307 : memref<1x400xi32, #tpu.memory_space<vmem>> -> memref<400xi32, #tpu.memory_space<vmem>>
    %dma_start3A_309 = tpu.memref_slice %arg2[%min3A_304] : memref<3276800xi32, #tpu.memory_space<hbm>> -> memref<400xi32, #tpu.memory_space<hbm>>
    %dma_start3A_310 = arith.constant 0 : i32
    %dma_start3A_311 = tpu.memref_slice %arg5[%dma_start3A_305, %dma_start3A_310] : memref<4x400xi32, #tpu.memory_space<vmem>> -> memref<1x400xi32, #tpu.memory_space<vmem>>
    %dma_start3A_312 = tpu.memref_squeeze %dma_start3A_311 : memref<1x400xi32, #tpu.memory_space<vmem>> -> memref<400xi32, #tpu.memory_space<vmem>>
    %dma_start3A_313 = tpu.memref_slice %arg2[%min3A_304] : memref<3276800xi32, #tpu.memory_space<hbm>> -> memref<400xi32, #tpu.memory_space<hbm>>
    tpu.enqueue_dma source(%dma_start3A_313 : memref<400xi32, #tpu.memory_space<hbm>>) target(%dma_start3A_312 : memref<400xi32, #tpu.memory_space<vmem>>) target_semaphore(%arg8 : memref<!tpu.dma_semaphore, #tpu.memory_space<semaphore_mem>>)
    %scan3A = arith.constant 0 : i32
    %scan3A_314 = arith.constant 1 : i32
    %scan3A_315 = arith.constant 63 : i32
    %scan3A_316 = arith.addi %scan3A_314, %scan3A_315 : i32
    %scan3A_317 = arith.constant 1 : i32
    scf.for %scan3A_751 = %scan3A_314 to %scan3A_316 step %scan3A_317  : i32 {
      %mul3A_752 = arith.constant 4 : i32
      %mul3A_753 = arith.muli %mul3A_752, %scan3A_751 : i32
      %add3A_754 = arith.constant 0 : i32
      %add3A_755 = arith.addi %mul3A_753, %add3A_754 : i32
      %sub3A_756 = arith.constant 4 : i32
      %sub3A_757 = arith.subi %add3A_755, %sub3A_756 : i32
      %mul3A_758 = arith.constant 400 : i32
      %mul3A_759 = arith.muli %sub3A_757, %mul3A_758 : i32
      %add3A_760 = arith.addi %mul3A_2, %mul3A_759 : i32
      %jit3A_761 = arith.constant 200 : i32
      %div3A_762 = arith.divsi %add3A_760, %jit3A_761 : i32
      %sign3A_763 = arith.constant 0 : i32
      %sign3A_764 = arith.cmpi sgt, %add3A_760, %sign3A_763 : i32
      %sign3A_765 = arith.extui %sign3A_764 : i1 to i32
      %sign3A_766 = arith.constant 0 : i32
      %sign3A_767 = arith.cmpi slt, %add3A_760, %sign3A_766 : i32
      %sign3A_768 = arith.extui %sign3A_767 : i1 to i32
      %sign3A_769 = arith.subi %sign3A_765, %sign3A_768 : i32
      %sign3A_770 = arith.constant 0 : i32
      %sign3A_771 = arith.cmpi sgt, %jit3A_761, %sign3A_770 : i32
      %sign3A_772 = arith.extui %sign3A_771 : i1 to i32
      %sign3A_773 = arith.constant 0 : i32
      %sign3A_774 = arith.cmpi slt, %jit3A_761, %sign3A_773 : i32
      %sign3A_775 = arith.extui %sign3A_774 : i1 to i32
      %sign3A_776 = arith.subi %sign3A_772, %sign3A_775 : i32
      %ne3A_777 = arith.cmpi ne, %sign3A_769, %sign3A_776 : i32
      %rem3A_778 = arith.remsi %add3A_760, %jit3A_761 : i32
      %ne3A_779 = arith.constant 0 : i32
      %ne3A_780 = arith.cmpi ne, %rem3A_778, %ne3A_779 : i32
      %and3A_781 = arith.andi %ne3A_777, %ne3A_780 : i1
      %sub3A_782 = arith.constant 1 : i32
      %sub3A_783 = arith.subi %div3A_762, %sub3A_782 : i32
      %select_n3A_784 = arith.select %and3A_781, %sub3A_783, %div3A_762 : i32
      %add3A_785 = arith.constant 0 : i32
      %add3A_786 = arith.addi %select_n3A_784, %add3A_785 : i32
      %add3A_787 = arith.constant 1 : i32
      %add3A_788 = arith.addi %select_n3A_784, %add3A_787 : i32
      %dma_wait3A_789 = arith.constant 0 : i32
      %dma_wait3A_790 = arith.constant 0 : i32
      %dma_wait3A_791 = arith.constant 0 : i32
      %dma_wait3A_792 = tpu.memref_slice %arg6[%dma_wait3A_789, %dma_wait3A_790, %dma_wait3A_791] : memref<4x400x64xf32, #tpu.memory_space<vmem>> -> memref<1x200x64xf32, #tpu.memory_space<vmem>>
      %dma_wait3A_793 = tpu.memref_squeeze %dma_wait3A_792 : memref<1x200x64xf32, #tpu.memory_space<vmem>> -> memref<200x64xf32, #tpu.memory_space<vmem>>
      %dma_wait3A_794 = arith.constant 0 : i32
      %dma_wait3A_795 = arith.constant 0 : i32
      %dma_wait3A_796 = tpu.memref_slice %arg4[%add3A_786, %dma_wait3A_794, %dma_wait3A_795] : memref<16384x200x128xf32, #tpu.memory_space<hbm>> -> memref<1x200x64xf32, #tpu.memory_space<hbm>>
      %dma_wait3A_797 = tpu.memref_squeeze %dma_wait3A_796 : memref<1x200x64xf32, #tpu.memory_space<hbm>> -> memref<200x64xf32, #tpu.memory_space<hbm>>
      %dma_wait3A_798 = arith.constant 0 : i32
      %dma_wait3A_799 = arith.constant 0 : i32
      %dma_wait3A_800 = tpu.memref_slice %arg4[%add3A_786, %dma_wait3A_798, %dma_wait3A_799] : memref<16384x200x128xf32, #tpu.memory_space<hbm>> -> memref<1x200x64xf32, #tpu.memory_space<hbm>>
      %dma_wait3A_801 = tpu.memref_squeeze %dma_wait3A_800 : memref<1x200x64xf32, #tpu.memory_space<hbm>> -> memref<200x64xf32, #tpu.memory_space<hbm>>
      %dma_wait3A_802 = arith.constant 0 : i32
      %dma_wait3A_803 = arith.constant 0 : i32
      %dma_wait3A_804 = tpu.memref_slice %arg6[%dma_wait3A_789, %dma_wait3A_802, %dma_wait3A_803] : memref<4x400x64xf32, #tpu.memory_space<vmem>> -> memref<1x200x64xf32, #tpu.memory_space<vmem>>
      %dma_wait3A_805 = tpu.memref_squeeze %dma_wait3A_804 : memref<1x200x64xf32, #tpu.memory_space<vmem>> -> memref<200x64xf32, #tpu.memory_space<vmem>>
      tpu.wait_dma2 semaphore(%arg15 : memref<!tpu.dma_semaphore, #tpu.memory_space<semaphore_mem>>) src(%dma_wait3A_805 : memref<200x64xf32, #tpu.memory_space<vmem>>) dst(%dma_wait3A_801 : memref<200x64xf32, #tpu.memory_space<hbm>>)
      %dma_wait3A_806 = arith.constant 0 : i32
      %dma_wait3A_807 = arith.constant 200 : i32
      %dma_wait3A_808 = arith.constant 0 : i32
      %dma_wait3A_809 = tpu.memref_slice %arg6[%dma_wait3A_806, %dma_wait3A_807, %dma_wait3A_808] : memref<4x400x64xf32, #tpu.memory_space<vmem>> -> memref<1x200x64xf32, #tpu.memory_space<vmem>>
      %dma_wait3A_810 = tpu.memref_squeeze %dma_wait3A_809 : memref<1x200x64xf32, #tpu.memory_space<vmem>> -> memref<200x64xf32, #tpu.memory_space<vmem>>
      %dma_wait3A_811 = arith.constant 0 : i32
      %dma_wait3A_812 = arith.constant 0 : i32
      %dma_wait3A_813 = tpu.memref_slice %arg4[%add3A_788, %dma_wait3A_811, %dma_wait3A_812] : memref<16384x200x128xf32, #tpu.memory_space<hbm>> -> memref<1x200x64xf32, #tpu.memory_space<hbm>>
      %dma_wait3A_814 = tpu.memref_squeeze %dma_wait3A_813 : memref<1x200x64xf32, #tpu.memory_space<hbm>> -> memref<200x64xf32, #tpu.memory_space<hbm>>
      %dma_wait3A_815 = arith.constant 0 : i32
      %dma_wait3A_816 = arith.constant 0 : i32
      %dma_wait3A_817 = tpu.memref_slice %arg4[%add3A_788, %dma_wait3A_815, %dma_wait3A_816] : memref<16384x200x128xf32, #tpu.memory_space<hbm>> -> memref<1x200x64xf32, #tpu.memory_space<hbm>>
      %dma_wait3A_818 = tpu.memref_squeeze %dma_wait3A_817 : memref<1x200x64xf32, #tpu.memory_space<hbm>> -> memref<200x64xf32, #tpu.memory_space<hbm>>
      %dma_wait3A_819 = arith.constant 200 : i32
      %dma_wait3A_820 = arith.constant 0 : i32
      %dma_wait3A_821 = tpu.memref_slice %arg6[%dma_wait3A_806, %dma_wait3A_819, %dma_wait3A_820] : memref<4x400x64xf32, #tpu.memory_space<vmem>> -> memref<1x200x64xf32, #tpu.memory_space<vmem>>
      %dma_wait3A_822 = tpu.memref_squeeze %dma_wait3A_821 : memref<1x200x64xf32, #tpu.memory_space<vmem>> -> memref<200x64xf32, #tpu.memory_space<vmem>>
      tpu.wait_dma2 semaphore(%arg15 : memref<!tpu.dma_semaphore, #tpu.memory_space<semaphore_mem>>) src(%dma_wait3A_822 : memref<200x64xf32, #tpu.memory_space<vmem>>) dst(%dma_wait3A_818 : memref<200x64xf32, #tpu.memory_space<hbm>>)
      %mul3A_823 = arith.constant 400 : i32
      %mul3A_824 = arith.muli %add3A_755, %mul3A_823 : i32
      %add3A_825 = arith.addi %mul3A_2, %mul3A_824 : i32
      %min3A_826 = arith.minsi %add3A_825, %add3A_4 : i32
      %dma_wait3A_827 = arith.constant 0 : i32
      %dma_wait3A_828 = arith.constant 0 : i32
      %dma_wait3A_829 = tpu.memref_slice %arg5[%dma_wait3A_827, %dma_wait3A_828] : memref<4x400xi32, #tpu.memory_space<vmem>> -> memref<1x400xi32, #tpu.memory_space<vmem>>
      %dma_wait3A_830 = tpu.memref_squeeze %dma_wait3A_829 : memref<1x400xi32, #tpu.memory_space<vmem>> -> memref<400xi32, #tpu.memory_space<vmem>>
      %dma_wait3A_831 = tpu.memref_slice %arg2[%min3A_826] : memref<3276800xi32, #tpu.memory_space<hbm>> -> memref<400xi32, #tpu.memory_space<hbm>>
      %dma_wait3A_832 = arith.constant 0 : i32
      %dma_wait3A_833 = tpu.memref_slice %arg5[%dma_wait3A_827, %dma_wait3A_832] : memref<4x400xi32, #tpu.memory_space<vmem>> -> memref<1x400xi32, #tpu.memory_space<vmem>>
      %dma_wait3A_834 = tpu.memref_squeeze %dma_wait3A_833 : memref<1x400xi32, #tpu.memory_space<vmem>> -> memref<400xi32, #tpu.memory_space<vmem>>
      %dma_wait3A_835 = tpu.memref_slice %arg2[%min3A_826] : memref<3276800xi32, #tpu.memory_space<hbm>> -> memref<400xi32, #tpu.memory_space<hbm>>
      tpu.wait_dma2 semaphore(%arg7 : memref<!tpu.dma_semaphore, #tpu.memory_space<semaphore_mem>>) src(%dma_wait3A_835 : memref<400xi32, #tpu.memory_space<hbm>>) dst(%dma_wait3A_834 : memref<400xi32, #tpu.memory_space<vmem>>)
      %dma_start3A_836 = arith.constant 0 : i32
      %dma_start3A_837 = arith.constant 0 : i32
      %dma_start3A_838 = arith.constant 0 : i32
      %dma_start3A_839 = arith.constant 0 : i32
      %dma_start3A_840 = tpu.memref_slice %arg6[%dma_start3A_837, %dma_start3A_838, %dma_start3A_839] : memref<4x400x64xf32, #tpu.memory_space<vmem>> -> memref<1x400x64xf32, #tpu.memory_space<vmem>>
      %dma_start3A_841 = tpu.memref_squeeze %dma_start3A_840 : memref<1x400x64xf32, #tpu.memory_space<vmem>> -> memref<400x64xf32, #tpu.memory_space<vmem>>
      %dma_start3A_842 = arith.constant 0 : i32
      %dma_start3A_843 = tpu.memref_slice %arg5[%dma_start3A_836, %dma_start3A_842] : memref<4x400xi32, #tpu.memory_space<vmem>> -> memref<1x400xi32, #tpu.memory_space<vmem>>
      %dma_start3A_844 = tpu.memref_squeeze %dma_start3A_843 : memref<1x400xi32, #tpu.memory_space<vmem>> -> memref<400xi32, #tpu.memory_space<vmem>>
      %dma_start3A_845 = arith.constant 0 : i32
      %dma_start3A_846 = arith.constant 0 : i32
      %dma_start3A_847 = tpu.memref_slice %arg3[%dma_start3A_845, %dma_start3A_846] : memref<1000000x64xf32, #tpu.memory_space<hbm>> -> memref<1000000x64xf32, #tpu.memory_space<hbm>>
      tpu.enqueue_indirect_dma source(%dma_start3A_847 : memref<1000000x64xf32, #tpu.memory_space<hbm>>) target(%dma_start3A_841 : memref<400x64xf32, #tpu.memory_space<vmem>>) offsets(%dma_start3A_844 : memref<400xi32, #tpu.memory_space<vmem>>) semaphore(%arg11 : memref<!tpu.dma_semaphore, #tpu.memory_space<semaphore_mem>>)
      %dma_wait3A_848 = arith.constant 2 : i32
      %dma_wait3A_849 = arith.constant 2 : i32
      %dma_wait3A_850 = arith.constant 0 : i32
      %dma_wait3A_851 = arith.constant 0 : i32
      %dma_wait3A_852 = tpu.memref_slice %arg6[%dma_wait3A_849, %dma_wait3A_850, %dma_wait3A_851] : memref<4x400x64xf32, #tpu.memory_space<vmem>> -> memref<1x400x64xf32, #tpu.memory_space<vmem>>
      %dma_wait3A_853 = tpu.memref_squeeze %dma_wait3A_852 : memref<1x400x64xf32, #tpu.memory_space<vmem>> -> memref<400x64xf32, #tpu.memory_space<vmem>>
      %dma_wait3A_854 = arith.constant 0 : i32
      %dma_wait3A_855 = tpu.memref_slice %arg5[%dma_wait3A_848, %dma_wait3A_854] : memref<4x400xi32, #tpu.memory_space<vmem>> -> memref<1x400xi32, #tpu.memory_space<vmem>>
      %dma_wait3A_856 = tpu.memref_squeeze %dma_wait3A_855 : memref<1x400xi32, #tpu.memory_space<vmem>> -> memref<400xi32, #tpu.memory_space<vmem>>
      %dma_wait3A_857 = arith.constant 0 : i32
      %dma_wait3A_858 = arith.constant 0 : i32
      %dma_wait3A_859 = tpu.memref_slice %arg3[%dma_wait3A_857, %dma_wait3A_858] : memref<1000000x64xf32, #tpu.memory_space<hbm>> -> memref<1000000x64xf32, #tpu.memory_space<hbm>>
      tpu.wait_indirect_dma semaphore(%arg13 : memref<!tpu.dma_semaphore, #tpu.memory_space<semaphore_mem>>) src(%dma_wait3A_859 : memref<1000000x64xf32, #tpu.memory_space<hbm>>) dst(%dma_wait3A_853 : memref<400x64xf32, #tpu.memory_space<vmem>>)
      %sub3A_860 = arith.constant 2 : i32
      %sub3A_861 = arith.subi %add3A_755, %sub3A_860 : i32
      %mul3A_862 = arith.constant 400 : i32
      %mul3A_863 = arith.muli %sub3A_861, %mul3A_862 : i32
      %add3A_864 = arith.addi %mul3A_2, %mul3A_863 : i32
      %jit3A_865 = arith.constant 200 : i32
      %div3A_866 = arith.divsi %add3A_864, %jit3A_865 : i32
      %sign3A_867 = arith.constant 0 : i32
      %sign3A_868 = arith.cmpi sgt, %add3A_864, %sign3A_867 : i32
      %sign3A_869 = arith.extui %sign3A_868 : i1 to i32
      %sign3A_870 = arith.constant 0 : i32
      %sign3A_871 = arith.cmpi slt, %add3A_864, %sign3A_870 : i32
      %sign3A_872 = arith.extui %sign3A_871 : i1 to i32
      %sign3A_873 = arith.subi %sign3A_869, %sign3A_872 : i32
      %sign3A_874 = arith.constant 0 : i32
      %sign3A_875 = arith.cmpi sgt, %jit3A_865, %sign3A_874 : i32
      %sign3A_876 = arith.extui %sign3A_875 : i1 to i32
      %sign3A_877 = arith.constant 0 : i32
      %sign3A_878 = arith.cmpi slt, %jit3A_865, %sign3A_877 : i32
      %sign3A_879 = arith.extui %sign3A_878 : i1 to i32
      %sign3A_880 = arith.subi %sign3A_876, %sign3A_879 : i32
      %ne3A_881 = arith.cmpi ne, %sign3A_873, %sign3A_880 : i32
      %rem3A_882 = arith.remsi %add3A_864, %jit3A_865 : i32
      %ne3A_883 = arith.constant 0 : i32
      %ne3A_884 = arith.cmpi ne, %rem3A_882, %ne3A_883 : i32
      %and3A_885 = arith.andi %ne3A_881, %ne3A_884 : i1
      %sub3A_886 = arith.constant 1 : i32
      %sub3A_887 = arith.subi %div3A_866, %sub3A_886 : i32
      %select_n3A_888 = arith.select %and3A_885, %sub3A_887, %div3A_866 : i32
      %add3A_889 = arith.constant 0 : i32
      %add3A_890 = arith.addi %select_n3A_888, %add3A_889 : i32
      %add3A_891 = arith.constant 1 : i32
      %add3A_892 = arith.addi %select_n3A_888, %add3A_891 : i32
      %dma_start3A_893 = arith.constant 2 : i32
      %dma_start3A_894 = arith.constant 0 : i32
      %dma_start3A_895 = arith.constant 0 : i32
      %dma_start3A_896 = tpu.memref_slice %arg6[%dma_start3A_893, %dma_start3A_894, %dma_start3A_895] : memref<4x400x64xf32, #tpu.memory_space<vmem>> -> memref<1x200x64xf32, #tpu.memory_space<vmem>>
      %dma_start3A_897 = tpu.memref_squeeze %dma_start3A_896 : memref<1x200x64xf32, #tpu.memory_space<vmem>> -> memref<200x64xf32, #tpu.memory_space<vmem>>
      %dma_start3A_898 = arith.constant 0 : i32
      %dma_start3A_899 = arith.constant 0 : i32
      %dma_start3A_900 = tpu.memref_slice %arg4[%add3A_890, %dma_start3A_898, %dma_start3A_899] : memref<16384x200x128xf32, #tpu.memory_space<hbm>> -> memref<1x200x64xf32, #tpu.memory_space<hbm>>
      %dma_start3A_901 = tpu.memref_squeeze %dma_start3A_900 : memref<1x200x64xf32, #tpu.memory_space<hbm>> -> memref<200x64xf32, #tpu.memory_space<hbm>>
      %dma_start3A_902 = arith.constant 0 : i32
      %dma_start3A_903 = arith.constant 0 : i32
      %dma_start3A_904 = tpu.memref_slice %arg4[%add3A_890, %dma_start3A_902, %dma_start3A_903] : memref<16384x200x128xf32, #tpu.memory_space<hbm>> -> memref<1x200x64xf32, #tpu.memory_space<hbm>>
      %dma_start3A_905 = tpu.memref_squeeze %dma_start3A_904 : memref<1x200x64xf32, #tpu.memory_space<hbm>> -> memref<200x64xf32, #tpu.memory_space<hbm>>
      %dma_start3A_906 = arith.constant 0 : i32
      %dma_start3A_907 = arith.constant 0 : i32
      %dma_start3A_908 = tpu.memref_slice %arg6[%dma_start3A_893, %dma_start3A_906, %dma_start3A_907] : memref<4x400x64xf32, #tpu.memory_space<vmem>> -> memref<1x200x64xf32, #tpu.memory_space<vmem>>
      %dma_start3A_909 = tpu.memref_squeeze %dma_start3A_908 : memref<1x200x64xf32, #tpu.memory_space<vmem>> -> memref<200x64xf32, #tpu.memory_space<vmem>>
      tpu.enqueue_dma source(%dma_start3A_909 : memref<200x64xf32, #tpu.memory_space<vmem>>) target(%dma_start3A_905 : memref<200x64xf32, #tpu.memory_space<hbm>>) target_semaphore(%arg17 : memref<!tpu.dma_semaphore, #tpu.memory_space<semaphore_mem>>)
      %dma_start3A_910 = arith.constant 2 : i32
      %dma_start3A_911 = arith.constant 200 : i32
      %dma_start3A_912 = arith.constant 0 : i32
      %dma_start3A_913 = tpu.memref_slice %arg6[%dma_start3A_910, %dma_start3A_911, %dma_start3A_912] : memref<4x400x64xf32, #tpu.memory_space<vmem>> -> memref<1x200x64xf32, #tpu.memory_space<vmem>>
      %dma_start3A_914 = tpu.memref_squeeze %dma_start3A_913 : memref<1x200x64xf32, #tpu.memory_space<vmem>> -> memref<200x64xf32, #tpu.memory_space<vmem>>
      %dma_start3A_915 = arith.constant 0 : i32
      %dma_start3A_916 = arith.constant 0 : i32
      %dma_start3A_917 = tpu.memref_slice %arg4[%add3A_892, %dma_start3A_915, %dma_start3A_916] : memref<16384x200x128xf32, #tpu.memory_space<hbm>> -> memref<1x200x64xf32, #tpu.memory_space<hbm>>
      %dma_start3A_918 = tpu.memref_squeeze %dma_start3A_917 : memref<1x200x64xf32, #tpu.memory_space<hbm>> -> memref<200x64xf32, #tpu.memory_space<hbm>>
      %dma_start3A_919 = arith.constant 0 : i32
      %dma_start3A_920 = arith.constant 0 : i32
      %dma_start3A_921 = tpu.memref_slice %arg4[%add3A_892, %dma_start3A_919, %dma_start3A_920] : memref<16384x200x128xf32, #tpu.memory_space<hbm>> -> memref<1x200x64xf32, #tpu.memory_space<hbm>>
      %dma_start3A_922 = tpu.memref_squeeze %dma_start3A_921 : memref<1x200x64xf32, #tpu.memory_space<hbm>> -> memref<200x64xf32, #tpu.memory_space<hbm>>
      %dma_start3A_923 = arith.constant 200 : i32
      %dma_start3A_924 = arith.constant 0 : i32
      %dma_start3A_925 = tpu.memref_slice %arg6[%dma_start3A_910, %dma_start3A_923, %dma_start3A_924] : memref<4x400x64xf32, #tpu.memory_space<vmem>> -> memref<1x200x64xf32, #tpu.memory_space<vmem>>
      %dma_start3A_926 = tpu.memref_squeeze %dma_start3A_925 : memref<1x200x64xf32, #tpu.memory_space<vmem>> -> memref<200x64xf32, #tpu.memory_space<vmem>>
      tpu.enqueue_dma source(%dma_start3A_926 : memref<200x64xf32, #tpu.memory_space<vmem>>) target(%dma_start3A_922 : memref<200x64xf32, #tpu.memory_space<hbm>>) target_semaphore(%arg17 : memref<!tpu.dma_semaphore, #tpu.memory_space<semaphore_mem>>)
      %add3A_927 = arith.constant 2 : i32
      %add3A_928 = arith.addi %add3A_755, %add3A_927 : i32
      %mul3A_929 = arith.constant 400 : i32
      %mul3A_930 = arith.muli %add3A_928, %mul3A_929 : i32
      %add3A_931 = arith.addi %mul3A_2, %mul3A_930 : i32
      %min3A_932 = arith.minsi %add3A_931, %add3A_4 : i32
      %dma_start3A_933 = arith.constant 2 : i32
      %dma_start3A_934 = arith.constant 0 : i32
      %dma_start3A_935 = tpu.memref_slice %arg5[%dma_start3A_933, %dma_start3A_934] : memref<4x400xi32, #tpu.memory_space<vmem>> -> memref<1x400xi32, #tpu.memory_space<vmem>>
      %dma_start3A_936 = tpu.memref_squeeze %dma_start3A_935 : memref<1x400xi32, #tpu.memory_space<vmem>> -> memref<400xi32, #tpu.memory_space<vmem>>
      %dma_start3A_937 = tpu.memref_slice %arg2[%min3A_932] : memref<3276800xi32, #tpu.memory_space<hbm>> -> memref<400xi32, #tpu.memory_space<hbm>>
      %dma_start3A_938 = arith.constant 0 : i32
      %dma_start3A_939 = tpu.memref_slice %arg5[%dma_start3A_933, %dma_start3A_938] : memref<4x400xi32, #tpu.memory_space<vmem>> -> memref<1x400xi32, #tpu.memory_space<vmem>>
      %dma_start3A_940 = tpu.memref_squeeze %dma_start3A_939 : memref<1x400xi32, #tpu.memory_space<vmem>> -> memref<400xi32, #tpu.memory_space<vmem>>
      %dma_start3A_941 = tpu.memref_slice %arg2[%min3A_932] : memref<3276800xi32, #tpu.memory_space<hbm>> -> memref<400xi32, #tpu.memory_space<hbm>>
      tpu.enqueue_dma source(%dma_start3A_941 : memref<400xi32, #tpu.memory_space<hbm>>) target(%dma_start3A_940 : memref<400xi32, #tpu.memory_space<vmem>>) target_semaphore(%arg9 : memref<!tpu.dma_semaphore, #tpu.memory_space<semaphore_mem>>)
      %mul3A_942 = arith.constant 4 : i32
      %mul3A_943 = arith.muli %mul3A_942, %scan3A_751 : i32
      %add3A_944 = arith.constant 1 : i32
      %add3A_945 = arith.addi %mul3A_943, %add3A_944 : i32
      %sub3A_946 = arith.constant 4 : i32
      %sub3A_947 = arith.subi %add3A_945, %sub3A_946 : i32
      %mul3A_948 = arith.constant 400 : i32
      %mul3A_949 = arith.muli %sub3A_947, %mul3A_948 : i32
      %add3A_950 = arith.addi %mul3A_2, %mul3A_949 : i32
      %jit3A_951 = arith.constant 200 : i32
      %div3A_952 = arith.divsi %add3A_950, %jit3A_951 : i32
      %sign3A_953 = arith.constant 0 : i32
      %sign3A_954 = arith.cmpi sgt, %add3A_950, %sign3A_953 : i32
      %sign3A_955 = arith.extui %sign3A_954 : i1 to i32
      %sign3A_956 = arith.constant 0 : i32
      %sign3A_957 = arith.cmpi slt, %add3A_950, %sign3A_956 : i32
      %sign3A_958 = arith.extui %sign3A_957 : i1 to i32
      %sign3A_959 = arith.subi %sign3A_955, %sign3A_958 : i32
      %sign3A_960 = arith.constant 0 : i32
      %sign3A_961 = arith.cmpi sgt, %jit3A_951, %sign3A_960 : i32
      %sign3A_962 = arith.extui %sign3A_961 : i1 to i32
      %sign3A_963 = arith.constant 0 : i32
      %sign3A_964 = arith.cmpi slt, %jit3A_951, %sign3A_963 : i32
      %sign3A_965 = arith.extui %sign3A_964 : i1 to i32
      %sign3A_966 = arith.subi %sign3A_962, %sign3A_965 : i32
      %ne3A_967 = arith.cmpi ne, %sign3A_959, %sign3A_966 : i32
      %rem3A_968 = arith.remsi %add3A_950, %jit3A_951 : i32
      %ne3A_969 = arith.constant 0 : i32
      %ne3A_970 = arith.cmpi ne, %rem3A_968, %ne3A_969 : i32
      %and3A_971 = arith.andi %ne3A_967, %ne3A_970 : i1
      %sub3A_972 = arith.constant 1 : i32
      %sub3A_973 = arith.subi %div3A_952, %sub3A_972 : i32
      %select_n3A_974 = arith.select %and3A_971, %sub3A_973, %div3A_952 : i32
      %add3A_975 = arith.constant 0 : i32
      %add3A_976 = arith.addi %select_n3A_974, %add3A_975 : i32
      %add3A_977 = arith.constant 1 : i32
      %add3A_978 = arith.addi %select_n3A_974, %add3A_977 : i32
      %dma_wait3A_979 = arith.constant 1 : i32
      %dma_wait3A_980 = arith.constant 0 : i32
      %dma_wait3A_981 = arith.constant 0 : i32
      %dma_wait3A_982 = tpu.memref_slice %arg6[%dma_wait3A_979, %dma_wait3A_980, %dma_wait3A_981] : memref<4x400x64xf32, #tpu.memory_space<vmem>> -> memref<1x200x64xf32, #tpu.memory_space<vmem>>
      %dma_wait3A_983 = tpu.memref_squeeze %dma_wait3A_982 : memref<1x200x64xf32, #tpu.memory_space<vmem>> -> memref<200x64xf32, #tpu.memory_space<vmem>>
      %dma_wait3A_984 = arith.constant 0 : i32
      %dma_wait3A_985 = arith.constant 0 : i32
      %dma_wait3A_986 = tpu.memref_slice %arg4[%add3A_976, %dma_wait3A_984, %dma_wait3A_985] : memref<16384x200x128xf32, #tpu.memory_space<hbm>> -> memref<1x200x64xf32, #tpu.memory_space<hbm>>
      %dma_wait3A_987 = tpu.memref_squeeze %dma_wait3A_986 : memref<1x200x64xf32, #tpu.memory_space<hbm>> -> memref<200x64xf32, #tpu.memory_space<hbm>>
      %dma_wait3A_988 = arith.constant 0 : i32
      %dma_wait3A_989 = arith.constant 0 : i32
      %dma_wait3A_990 = tpu.memref_slice %arg4[%add3A_976, %dma_wait3A_988, %dma_wait3A_989] : memref<16384x200x128xf32, #tpu.memory_space<hbm>> -> memref<1x200x64xf32, #tpu.memory_space<hbm>>
      %dma_wait3A_991 = tpu.memref_squeeze %dma_wait3A_990 : memref<1x200x64xf32, #tpu.memory_space<hbm>> -> memref<200x64xf32, #tpu.memory_space<hbm>>
      %dma_wait3A_992 = arith.constant 0 : i32
      %dma_wait3A_993 = arith.constant 0 : i32
      %dma_wait3A_994 = tpu.memref_slice %arg6[%dma_wait3A_979, %dma_wait3A_992, %dma_wait3A_993] : memref<4x400x64xf32, #tpu.memory_space<vmem>> -> memref<1x200x64xf32, #tpu.memory_space<vmem>>
      %dma_wait3A_995 = tpu.memref_squeeze %dma_wait3A_994 : memref<1x200x64xf32, #tpu.memory_space<vmem>> -> memref<200x64xf32, #tpu.memory_space<vmem>>
      tpu.wait_dma2 semaphore(%arg16 : memref<!tpu.dma_semaphore, #tpu.memory_space<semaphore_mem>>) src(%dma_wait3A_995 : memref<200x64xf32, #tpu.memory_space<vmem>>) dst(%dma_wait3A_991 : memref<200x64xf32, #tpu.memory_space<hbm>>)
      %dma_wait3A_996 = arith.constant 1 : i32
      %dma_wait3A_997 = arith.constant 200 : i32
      %dma_wait3A_998 = arith.constant 0 : i32
      %dma_wait3A_999 = tpu.memref_slice %arg6[%dma_wait3A_996, %dma_wait3A_997, %dma_wait3A_998] : memref<4x400x64xf32, #tpu.memory_space<vmem>> -> memref<1x200x64xf32, #tpu.memory_space<vmem>>
      %dma_wait3A_1000 = tpu.memref_squeeze %dma_wait3A_999 : memref<1x200x64xf32, #tpu.memory_space<vmem>> -> memref<200x64xf32, #tpu.memory_space<vmem>>
      %dma_wait3A_1001 = arith.constant 0 : i32
      %dma_wait3A_1002 = arith.constant 0 : i32
      %dma_wait3A_1003 = tpu.memref_slice %arg4[%add3A_978, %dma_wait3A_1001, %dma_wait3A_1002] : memref<16384x200x128xf32, #tpu.memory_space<hbm>> -> memref<1x200x64xf32, #tpu.memory_space<hbm>>
      %dma_wait3A_1004 = tpu.memref_squeeze %dma_wait3A_1003 : memref<1x200x64xf32, #tpu.memory_space<hbm>> -> memref<200x64xf32, #tpu.memory_space<hbm>>
      %dma_wait3A_1005 = arith.constant 0 : i32
      %dma_wait3A_1006 = arith.constant 0 : i32
      %dma_wait3A_1007 = tpu.memref_slice %arg4[%add3A_978, %dma_wait3A_1005, %dma_wait3A_1006] : memref<16384x200x128xf32, #tpu.memory_space<hbm>> -> memref<1x200x64xf32, #tpu.memory_space<hbm>>
      %dma_wait3A_1008 = tpu.memref_squeeze %dma_wait3A_1007 : memref<1x200x64xf32, #tpu.memory_space<hbm>> -> memref<200x64xf32, #tpu.memory_space<hbm>>
      %dma_wait3A_1009 = arith.constant 200 : i32
      %dma_wait3A_1010 = arith.constant 0 : i32
      %dma_wait3A_1011 = tpu.memref_slice %arg6[%dma_wait3A_996, %dma_wait3A_1009, %dma_wait3A_1010] : memref<4x400x64xf32, #tpu.memory_space<vmem>> -> memref<1x200x64xf32, #tpu.memory_space<vmem>>
      %dma_wait3A_1012 = tpu.memref_squeeze %dma_wait3A_1011 : memref<1x200x64xf32, #tpu.memory_space<vmem>> -> memref<200x64xf32, #tpu.memory_space<vmem>>
      tpu.wait_dma2 semaphore(%arg16 : memref<!tpu.dma_semaphore, #tpu.memory_space<semaphore_mem>>) src(%dma_wait3A_1012 : memref<200x64xf32, #tpu.memory_space<vmem>>) dst(%dma_wait3A_1008 : memref<200x64xf32, #tpu.memory_space<hbm>>)
      %mul3A_1013 = arith.constant 400 : i32
      %mul3A_1014 = arith.muli %add3A_945, %mul3A_1013 : i32
      %add3A_1015 = arith.addi %mul3A_2, %mul3A_1014 : i32
      %min3A_1016 = arith.minsi %add3A_1015, %add3A_4 : i32
      %dma_wait3A_1017 = arith.constant 1 : i32
      %dma_wait3A_1018 = arith.constant 0 : i32
      %dma_wait3A_1019 = tpu.memref_slice %arg5[%dma_wait3A_1017, %dma_wait3A_1018] : memref<4x400xi32, #tpu.memory_space<vmem>> -> memref<1x400xi32, #tpu.memory_space<vmem>>
      %dma_wait3A_1020 = tpu.memref_squeeze %dma_wait3A_1019 : memref<1x400xi32, #tpu.memory_space<vmem>> -> memref<400xi32, #tpu.memory_space<vmem>>
      %dma_wait3A_1021 = tpu.memref_slice %arg2[%min3A_1016] : memref<3276800xi32, #tpu.memory_space<hbm>> -> memref<400xi32, #tpu.memory_space<hbm>>
      %dma_wait3A_1022 = arith.constant 0 : i32
      %dma_wait3A_1023 = tpu.memref_slice %arg5[%dma_wait3A_1017, %dma_wait3A_1022] : memref<4x400xi32, #tpu.memory_space<vmem>> -> memref<1x400xi32, #tpu.memory_space<vmem>>
      %dma_wait3A_1024 = tpu.memref_squeeze %dma_wait3A_1023 : memref<1x400xi32, #tpu.memory_space<vmem>> -> memref<400xi32, #tpu.memory_space<vmem>>
      %dma_wait3A_1025 = tpu.memref_slice %arg2[%min3A_1016] : memref<3276800xi32, #tpu.memory_space<hbm>> -> memref<400xi32, #tpu.memory_space<hbm>>
      tpu.wait_dma2 semaphore(%arg8 : memref<!tpu.dma_semaphore, #tpu.memory_space<semaphore_mem>>) src(%dma_wait3A_1025 : memref<400xi32, #tpu.memory_space<hbm>>) dst(%dma_wait3A_1024 : memref<400xi32, #tpu.memory_space<vmem>>)
      %dma_start3A_1026 = arith.constant 1 : i32
      %dma_start3A_1027 = arith.constant 1 : i32
      %dma_start3A_1028 = arith.constant 0 : i32
      %dma_start3A_1029 = arith.constant 0 : i32
      %dma_start3A_1030 = tpu.memref_slice %arg6[%dma_start3A_1027, %dma_start3A_1028, %dma_start3A_1029] : memref<4x400x64xf32, #tpu.memory_space<vmem>> -> memref<1x400x64xf32, #tpu.memory_space<vmem>>
      %dma_start3A_1031 = tpu.memref_squeeze %dma_start3A_1030 : memref<1x400x64xf32, #tpu.memory_space<vmem>> -> memref<400x64xf32, #tpu.memory_space<vmem>>
      %dma_start3A_1032 = arith.constant 0 : i32
      %dma_start3A_1033 = tpu.memref_slice %arg5[%dma_start3A_1026, %dma_start3A_1032] : memref<4x400xi32, #tpu.memory_space<vmem>> -> memref<1x400xi32, #tpu.memory_space<vmem>>
      %dma_start3A_1034 = tpu.memref_squeeze %dma_start3A_1033 : memref<1x400xi32, #tpu.memory_space<vmem>> -> memref<400xi32, #tpu.memory_space<vmem>>
      %dma_start3A_1035 = arith.constant 0 : i32
      %dma_start3A_1036 = arith.constant 0 : i32
      %dma_start3A_1037 = tpu.memref_slice %arg3[%dma_start3A_1035, %dma_start3A_1036] : memref<1000000x64xf32, #tpu.memory_space<hbm>> -> memref<1000000x64xf32, #tpu.memory_space<hbm>>
      tpu.enqueue_indirect_dma source(%dma_start3A_1037 : memref<1000000x64xf32, #tpu.memory_space<hbm>>) target(%dma_start3A_1031 : memref<400x64xf32, #tpu.memory_space<vmem>>) offsets(%dma_start3A_1034 : memref<400xi32, #tpu.memory_space<vmem>>) semaphore(%arg12 : memref<!tpu.dma_semaphore, #tpu.memory_space<semaphore_mem>>)
      %dma_wait3A_1038 = arith.constant 3 : i32
      %dma_wait3A_1039 = arith.constant 3 : i32
      %dma_wait3A_1040 = arith.constant 0 : i32
      %dma_wait3A_1041 = arith.constant 0 : i32
      %dma_wait3A_1042 = tpu.memref_slice %arg6[%dma_wait3A_1039, %dma_wait3A_1040, %dma_wait3A_1041] : memref<4x400x64xf32, #tpu.memory_space<vmem>> -> memref<1x400x64xf32, #tpu.memory_space<vmem>>
      %dma_wait3A_1043 = tpu.memref_squeeze %dma_wait3A_1042 : memref<1x400x64xf32, #tpu.memory_space<vmem>> -> memref<400x64xf32, #tpu.memory_space<vmem>>
      %dma_wait3A_1044 = arith.constant 0 : i32
      %dma_wait3A_1045 = tpu.memref_slice %arg5[%dma_wait3A_1038, %dma_wait3A_1044] : memref<4x400xi32, #tpu.memory_space<vmem>> -> memref<1x400xi32, #tpu.memory_space<vmem>>
      %dma_wait3A_1046 = tpu.memref_squeeze %dma_wait3A_1045 : memref<1x400xi32, #tpu.memory_space<vmem>> -> memref<400xi32, #tpu.memory_space<vmem>>
      %dma_wait3A_1047 = arith.constant 0 : i32
      %dma_wait3A_1048 = arith.constant 0 : i32
      %dma_wait3A_1049 = tpu.memref_slice %arg3[%dma_wait3A_1047, %dma_wait3A_1048] : memref<1000000x64xf32, #tpu.memory_space<hbm>> -> memref<1000000x64xf32, #tpu.memory_space<hbm>>
      tpu.wait_indirect_dma semaphore(%arg14 : memref<!tpu.dma_semaphore, #tpu.memory_space<semaphore_mem>>) src(%dma_wait3A_1049 : memref<1000000x64xf32, #tpu.memory_space<hbm>>) dst(%dma_wait3A_1043 : memref<400x64xf32, #tpu.memory_space<vmem>>)
      %sub3A_1050 = arith.constant 2 : i32
      %sub3A_1051 = arith.subi %add3A_945, %sub3A_1050 : i32
      %mul3A_1052 = arith.constant 400 : i32
      %mul3A_1053 = arith.muli %sub3A_1051, %mul3A_1052 : i32
      %add3A_1054 = arith.addi %mul3A_2, %mul3A_1053 : i32
      %jit3A_1055 = arith.constant 200 : i32
      %div3A_1056 = arith.divsi %add3A_1054, %jit3A_1055 : i32
      %sign3A_1057 = arith.constant 0 : i32
      %sign3A_1058 = arith.cmpi sgt, %add3A_1054, %sign3A_1057 : i32
      %sign3A_1059 = arith.extui %sign3A_1058 : i1 to i32
      %sign3A_1060 = arith.constant 0 : i32
      %sign3A_1061 = arith.cmpi slt, %add3A_1054, %sign3A_1060 : i32
      %sign3A_1062 = arith.extui %sign3A_1061 : i1 to i32
      %sign3A_1063 = arith.subi %sign3A_1059, %sign3A_1062 : i32
      %sign3A_1064 = arith.constant 0 : i32
      %sign3A_1065 = arith.cmpi sgt, %jit3A_1055, %sign3A_1064 : i32
      %sign3A_1066 = arith.extui %sign3A_1065 : i1 to i32
      %sign3A_1067 = arith.constant 0 : i32
      %sign3A_1068 = arith.cmpi slt, %jit3A_1055, %sign3A_1067 : i32
      %sign3A_1069 = arith.extui %sign3A_1068 : i1 to i32
      %sign3A_1070 = arith.subi %sign3A_1066, %sign3A_1069 : i32
      %ne3A_1071 = arith.cmpi ne, %sign3A_1063, %sign3A_1070 : i32
      %rem3A_1072 = arith.remsi %add3A_1054, %jit3A_1055 : i32
      %ne3A_1073 = arith.constant 0 : i32
      %ne3A_1074 = arith.cmpi ne, %rem3A_1072, %ne3A_1073 : i32
      %and3A_1075 = arith.andi %ne3A_1071, %ne3A_1074 : i1
      %sub3A_1076 = arith.constant 1 : i32
      %sub3A_1077 = arith.subi %div3A_1056, %sub3A_1076 : i32
      %select_n3A_1078 = arith.select %and3A_1075, %sub3A_1077, %div3A_1056 : i32
      %add3A_1079 = arith.constant 0 : i32
      %add3A_1080 = arith.addi %select_n3A_1078, %add3A_1079 : i32
      %add3A_1081 = arith.constant 1 : i32
      %add3A_1082 = arith.addi %select_n3A_1078, %add3A_1081 : i32
      %dma_start3A_1083 = arith.constant 3 : i32
      %dma_start3A_1084 = arith.constant 0 : i32
      %dma_start3A_1085 = arith.constant 0 : i32
      %dma_start3A_1086 = tpu.memref_slice %arg6[%dma_start3A_1083, %dma_start3A_1084, %dma_start3A_1085] : memref<4x400x64xf32, #tpu.memory_space<vmem>> -> memref<1x200x64xf32, #tpu.memory_space<vmem>>
      %dma_start3A_1087 = tpu.memref_squeeze %dma_start3A_1086 : memref<1x200x64xf32, #tpu.memory_space<vmem>> -> memref<200x64xf32, #tpu.memory_space<vmem>>
      %dma_start3A_1088 = arith.constant 0 : i32
      %dma_start3A_1089 = arith.constant 0 : i32
      %dma_start3A_1090 = tpu.memref_slice %arg4[%add3A_1080, %dma_start3A_1088, %dma_start3A_1089] : memref<16384x200x128xf32, #tpu.memory_space<hbm>> -> memref<1x200x64xf32, #tpu.memory_space<hbm>>
      %dma_start3A_1091 = tpu.memref_squeeze %dma_start3A_1090 : memref<1x200x64xf32, #tpu.memory_space<hbm>> -> memref<200x64xf32, #tpu.memory_space<hbm>>
      %dma_start3A_1092 = arith.constant 0 : i32
      %dma_start3A_1093 = arith.constant 0 : i32
      %dma_start3A_1094 = tpu.memref_slice %arg4[%add3A_1080, %dma_start3A_1092, %dma_start3A_1093] : memref<16384x200x128xf32, #tpu.memory_space<hbm>> -> memref<1x200x64xf32, #tpu.memory_space<hbm>>
      %dma_start3A_1095 = tpu.memref_squeeze %dma_start3A_1094 : memref<1x200x64xf32, #tpu.memory_space<hbm>> -> memref<200x64xf32, #tpu.memory_space<hbm>>
      %dma_start3A_1096 = arith.constant 0 : i32
      %dma_start3A_1097 = arith.constant 0 : i32
      %dma_start3A_1098 = tpu.memref_slice %arg6[%dma_start3A_1083, %dma_start3A_1096, %dma_start3A_1097] : memref<4x400x64xf32, #tpu.memory_space<vmem>> -> memref<1x200x64xf32, #tpu.memory_space<vmem>>
      %dma_start3A_1099 = tpu.memref_squeeze %dma_start3A_1098 : memref<1x200x64xf32, #tpu.memory_space<vmem>> -> memref<200x64xf32, #tpu.memory_space<vmem>>
      tpu.enqueue_dma source(%dma_start3A_1099 : memref<200x64xf32, #tpu.memory_space<vmem>>) target(%dma_start3A_1095 : memref<200x64xf32, #tpu.memory_space<hbm>>) target_semaphore(%arg18 : memref<!tpu.dma_semaphore, #tpu.memory_space<semaphore_mem>>)
      %dma_start3A_1100 = arith.constant 3 : i32
      %dma_start3A_1101 = arith.constant 200 : i32
      %dma_start3A_1102 = arith.constant 0 : i32
      %dma_start3A_1103 = tpu.memref_slice %arg6[%dma_start3A_1100, %dma_start3A_1101, %dma_start3A_1102] : memref<4x400x64xf32, #tpu.memory_space<vmem>> -> memref<1x200x64xf32, #tpu.memory_space<vmem>>
      %dma_start3A_1104 = tpu.memref_squeeze %dma_start3A_1103 : memref<1x200x64xf32, #tpu.memory_space<vmem>> -> memref<200x64xf32, #tpu.memory_space<vmem>>
      %dma_start3A_1105 = arith.constant 0 : i32
      %dma_start3A_1106 = arith.constant 0 : i32
      %dma_start3A_1107 = tpu.memref_slice %arg4[%add3A_1082, %dma_start3A_1105, %dma_start3A_1106] : memref<16384x200x128xf32, #tpu.memory_space<hbm>> -> memref<1x200x64xf32, #tpu.memory_space<hbm>>
      %dma_start3A_1108 = tpu.memref_squeeze %dma_start3A_1107 : memref<1x200x64xf32, #tpu.memory_space<hbm>> -> memref<200x64xf32, #tpu.memory_space<hbm>>
      %dma_start3A_1109 = arith.constant 0 : i32
      %dma_start3A_1110 = arith.constant 0 : i32
      %dma_start3A_1111 = tpu.memref_slice %arg4[%add3A_1082, %dma_start3A_1109, %dma_start3A_1110] : memref<16384x200x128xf32, #tpu.memory_space<hbm>> -> memref<1x200x64xf32, #tpu.memory_space<hbm>>
      %dma_start3A_1112 = tpu.memref_squeeze %dma_start3A_1111 : memref<1x200x64xf32, #tpu.memory_space<hbm>> -> memref<200x64xf32, #tpu.memory_space<hbm>>
      %dma_start3A_1113 = arith.constant 200 : i32
      %dma_start3A_1114 = arith.constant 0 : i32
      %dma_start3A_1115 = tpu.memref_slice %arg6[%dma_start3A_1100, %dma_start3A_1113, %dma_start3A_1114] : memref<4x400x64xf32, #tpu.memory_space<vmem>> -> memref<1x200x64xf32, #tpu.memory_space<vmem>>
      %dma_start3A_1116 = tpu.memref_squeeze %dma_start3A_1115 : memref<1x200x64xf32, #tpu.memory_space<vmem>> -> memref<200x64xf32, #tpu.memory_space<vmem>>
      tpu.enqueue_dma source(%dma_start3A_1116 : memref<200x64xf32, #tpu.memory_space<vmem>>) target(%dma_start3A_1112 : memref<200x64xf32, #tpu.memory_space<hbm>>) target_semaphore(%arg18 : memref<!tpu.dma_semaphore, #tpu.memory_space<semaphore_mem>>)
      %add3A_1117 = arith.constant 2 : i32
      %add3A_1118 = arith.addi %add3A_945, %add3A_1117 : i32
      %mul3A_1119 = arith.constant 400 : i32
      %mul3A_1120 = arith.muli %add3A_1118, %mul3A_1119 : i32
      %add3A_1121 = arith.addi %mul3A_2, %mul3A_1120 : i32
      %min3A_1122 = arith.minsi %add3A_1121, %add3A_4 : i32
      %dma_start3A_1123 = arith.constant 3 : i32
      %dma_start3A_1124 = arith.constant 0 : i32
      %dma_start3A_1125 = tpu.memref_slice %arg5[%dma_start3A_1123, %dma_start3A_1124] : memref<4x400xi32, #tpu.memory_space<vmem>> -> memref<1x400xi32, #tpu.memory_space<vmem>>
      %dma_start3A_1126 = tpu.memref_squeeze %dma_start3A_1125 : memref<1x400xi32, #tpu.memory_space<vmem>> -> memref<400xi32, #tpu.memory_space<vmem>>
      %dma_start3A_1127 = tpu.memref_slice %arg2[%min3A_1122] : memref<3276800xi32, #tpu.memory_space<hbm>> -> memref<400xi32, #tpu.memory_space<hbm>>
      %dma_start3A_1128 = arith.constant 0 : i32
      %dma_start3A_1129 = tpu.memref_slice %arg5[%dma_start3A_1123, %dma_start3A_1128] : memref<4x400xi32, #tpu.memory_space<vmem>> -> memref<1x400xi32, #tpu.memory_space<vmem>>
      %dma_start3A_1130 = tpu.memref_squeeze %dma_start3A_1129 : memref<1x400xi32, #tpu.memory_space<vmem>> -> memref<400xi32, #tpu.memory_space<vmem>>
      %dma_start3A_1131 = tpu.memref_slice %arg2[%min3A_1122] : memref<3276800xi32, #tpu.memory_space<hbm>> -> memref<400xi32, #tpu.memory_space<hbm>>
      tpu.enqueue_dma source(%dma_start3A_1131 : memref<400xi32, #tpu.memory_space<hbm>>) target(%dma_start3A_1130 : memref<400xi32, #tpu.memory_space<vmem>>) target_semaphore(%arg10 : memref<!tpu.dma_semaphore, #tpu.memory_space<semaphore_mem>>)
      %mul3A_1132 = arith.constant 4 : i32
      %mul3A_1133 = arith.muli %mul3A_1132, %scan3A_751 : i32
      %add3A_1134 = arith.constant 2 : i32
      %add3A_1135 = arith.addi %mul3A_1133, %add3A_1134 : i32
      %sub3A_1136 = arith.constant 4 : i32
      %sub3A_1137 = arith.subi %add3A_1135, %sub3A_1136 : i32
      %mul3A_1138 = arith.constant 400 : i32
      %mul3A_1139 = arith.muli %sub3A_1137, %mul3A_1138 : i32
      %add3A_1140 = arith.addi %mul3A_2, %mul3A_1139 : i32
      %jit3A_1141 = arith.constant 200 : i32
      %div3A_1142 = arith.divsi %add3A_1140, %jit3A_1141 : i32
      %sign3A_1143 = arith.constant 0 : i32
      %sign3A_1144 = arith.cmpi sgt, %add3A_1140, %sign3A_1143 : i32
      %sign3A_1145 = arith.extui %sign3A_1144 : i1 to i32
      %sign3A_1146 = arith.constant 0 : i32
      %sign3A_1147 = arith.cmpi slt, %add3A_1140, %sign3A_1146 : i32
      %sign3A_1148 = arith.extui %sign3A_1147 : i1 to i32
      %sign3A_1149 = arith.subi %sign3A_1145, %sign3A_1148 : i32
      %sign3A_1150 = arith.constant 0 : i32
      %sign3A_1151 = arith.cmpi sgt, %jit3A_1141, %sign3A_1150 : i32
      %sign3A_1152 = arith.extui %sign3A_1151 : i1 to i32
      %sign3A_1153 = arith.constant 0 : i32
      %sign3A_1154 = arith.cmpi slt, %jit3A_1141, %sign3A_1153 : i32
      %sign3A_1155 = arith.extui %sign3A_1154 : i1 to i32
      %sign3A_1156 = arith.subi %sign3A_1152, %sign3A_1155 : i32
      %ne3A_1157 = arith.cmpi ne, %sign3A_1149, %sign3A_1156 : i32
      %rem3A_1158 = arith.remsi %add3A_1140, %jit3A_1141 : i32
      %ne3A_1159 = arith.constant 0 : i32
      %ne3A_1160 = arith.cmpi ne, %rem3A_1158, %ne3A_1159 : i32
      %and3A_1161 = arith.andi %ne3A_1157, %ne3A_1160 : i1
      %sub3A_1162 = arith.constant 1 : i32
      %sub3A_1163 = arith.subi %div3A_1142, %sub3A_1162 : i32
      %select_n3A_1164 = arith.select %and3A_1161, %sub3A_1163, %div3A_1142 : i32
      %add3A_1165 = arith.constant 0 : i32
      %add3A_1166 = arith.addi %select_n3A_1164, %add3A_1165 : i32
      %add3A_1167 = arith.constant 1 : i32
      %add3A_1168 = arith.addi %select_n3A_1164, %add3A_1167 : i32
      %dma_wait3A_1169 = arith.constant 2 : i32
      %dma_wait3A_1170 = arith.constant 0 : i32
      %dma_wait3A_1171 = arith.constant 0 : i32
      %dma_wait3A_1172 = tpu.memref_slice %arg6[%dma_wait3A_1169, %dma_wait3A_1170, %dma_wait3A_1171] : memref<4x400x64xf32, #tpu.memory_space<vmem>> -> memref<1x200x64xf32, #tpu.memory_space<vmem>>
      %dma_wait3A_1173 = tpu.memref_squeeze %dma_wait3A_1172 : memref<1x200x64xf32, #tpu.memory_space<vmem>> -> memref<200x64xf32, #tpu.memory_space<vmem>>
      %dma_wait3A_1174 = arith.constant 0 : i32
      %dma_wait3A_1175 = arith.constant 0 : i32
      %dma_wait3A_1176 = tpu.memref_slice %arg4[%add3A_1166, %dma_wait3A_1174, %dma_wait3A_1175] : memref<16384x200x128xf32, #tpu.memory_space<hbm>> -> memref<1x200x64xf32, #tpu.memory_space<hbm>>
      %dma_wait3A_1177 = tpu.memref_squeeze %dma_wait3A_1176 : memref<1x200x64xf32, #tpu.memory_space<hbm>> -> memref<200x64xf32, #tpu.memory_space<hbm>>
      %dma_wait3A_1178 = arith.constant 0 : i32
      %dma_wait3A_1179 = arith.constant 0 : i32
      %dma_wait3A_1180 = tpu.memref_slice %arg4[%add3A_1166, %dma_wait3A_1178, %dma_wait3A_1179] : memref<16384x200x128xf32, #tpu.memory_space<hbm>> -> memref<1x200x64xf32, #tpu.memory_space<hbm>>
      %dma_wait3A_1181 = tpu.memref_squeeze %dma_wait3A_1180 : memref<1x200x64xf32, #tpu.memory_space<hbm>> -> memref<200x64xf32, #tpu.memory_space<hbm>>
      %dma_wait3A_1182 = arith.constant 0 : i32
      %dma_wait3A_1183 = arith.constant 0 : i32
      %dma_wait3A_1184 = tpu.memref_slice %arg6[%dma_wait3A_1169, %dma_wait3A_1182, %dma_wait3A_1183] : memref<4x400x64xf32, #tpu.memory_space<vmem>> -> memref<1x200x64xf32, #tpu.memory_space<vmem>>
      %dma_wait3A_1185 = tpu.memref_squeeze %dma_wait3A_1184 : memref<1x200x64xf32, #tpu.memory_space<vmem>> -> memref<200x64xf32, #tpu.memory_space<vmem>>
      tpu.wait_dma2 semaphore(%arg17 : memref<!tpu.dma_semaphore, #tpu.memory_space<semaphore_mem>>) src(%dma_wait3A_1185 : memref<200x64xf32, #tpu.memory_space<vmem>>) dst(%dma_wait3A_1181 : memref<200x64xf32, #tpu.memory_space<hbm>>)
      %dma_wait3A_1186 = arith.constant 2 : i32
      %dma_wait3A_1187 = arith.constant 200 : i32
      %dma_wait3A_1188 = arith.constant 0 : i32
      %dma_wait3A_1189 = tpu.memref_slice %arg6[%dma_wait3A_1186, %dma_wait3A_1187, %dma_wait3A_1188] : memref<4x400x64xf32, #tpu.memory_space<vmem>> -> memref<1x200x64xf32, #tpu.memory_space<vmem>>
      %dma_wait3A_1190 = tpu.memref_squeeze %dma_wait3A_1189 : memref<1x200x64xf32, #tpu.memory_space<vmem>> -> memref<200x64xf32, #tpu.memory_space<vmem>>
      %dma_wait3A_1191 = arith.constant 0 : i32
      %dma_wait3A_1192 = arith.constant 0 : i32
      %dma_wait3A_1193 = tpu.memref_slice %arg4[%add3A_1168, %dma_wait3A_1191, %dma_wait3A_1192] : memref<16384x200x128xf32, #tpu.memory_space<hbm>> -> memref<1x200x64xf32, #tpu.memory_space<hbm>>
      %dma_wait3A_1194 = tpu.memref_squeeze %dma_wait3A_1193 : memref<1x200x64xf32, #tpu.memory_space<hbm>> -> memref<200x64xf32, #tpu.memory_space<hbm>>
      %dma_wait3A_1195 = arith.constant 0 : i32
      %dma_wait3A_1196 = arith.constant 0 : i32
      %dma_wait3A_1197 = tpu.memref_slice %arg4[%add3A_1168, %dma_wait3A_1195, %dma_wait3A_1196] : memref<16384x200x128xf32, #tpu.memory_space<hbm>> -> memref<1x200x64xf32, #tpu.memory_space<hbm>>
      %dma_wait3A_1198 = tpu.memref_squeeze %dma_wait3A_1197 : memref<1x200x64xf32, #tpu.memory_space<hbm>> -> memref<200x64xf32, #tpu.memory_space<hbm>>
      %dma_wait3A_1199 = arith.constant 200 : i32
      %dma_wait3A_1200 = arith.constant 0 : i32
      %dma_wait3A_1201 = tpu.memref_slice %arg6[%dma_wait3A_1186, %dma_wait3A_1199, %dma_wait3A_1200] : memref<4x400x64xf32, #tpu.memory_space<vmem>> -> memref<1x200x64xf32, #tpu.memory_space<vmem>>
      %dma_wait3A_1202 = tpu.memref_squeeze %dma_wait3A_1201 : memref<1x200x64xf32, #tpu.memory_space<vmem>> -> memref<200x64xf32, #tpu.memory_space<vmem>>
      tpu.wait_dma2 semaphore(%arg17 : memref<!tpu.dma_semaphore, #tpu.memory_space<semaphore_mem>>) src(%dma_wait3A_1202 : memref<200x64xf32, #tpu.memory_space<vmem>>) dst(%dma_wait3A_1198 : memref<200x64xf32, #tpu.memory_space<hbm>>)
      %mul3A_1203 = arith.constant 400 : i32
      %mul3A_1204 = arith.muli %add3A_1135, %mul3A_1203 : i32
      %add3A_1205 = arith.addi %mul3A_2, %mul3A_1204 : i32
      %min3A_1206 = arith.minsi %add3A_1205, %add3A_4 : i32
      %dma_wait3A_1207 = arith.constant 2 : i32
      %dma_wait3A_1208 = arith.constant 0 : i32
      %dma_wait3A_1209 = tpu.memref_slice %arg5[%dma_wait3A_1207, %dma_wait3A_1208] : memref<4x400xi32, #tpu.memory_space<vmem>> -> memref<1x400xi32, #tpu.memory_space<vmem>>
      %dma_wait3A_1210 = tpu.memref_squeeze %dma_wait3A_1209 : memref<1x400xi32, #tpu.memory_space<vmem>> -> memref<400xi32, #tpu.memory_space<vmem>>
      %dma_wait3A_1211 = tpu.memref_slice %arg2[%min3A_1206] : memref<3276800xi32, #tpu.memory_space<hbm>> -> memref<400xi32, #tpu.memory_space<hbm>>
      %dma_wait3A_1212 = arith.constant 0 : i32
      %dma_wait3A_1213 = tpu.memref_slice %arg5[%dma_wait3A_1207, %dma_wait3A_1212] : memref<4x400xi32, #tpu.memory_space<vmem>> -> memref<1x400xi32, #tpu.memory_space<vmem>>
      %dma_wait3A_1214 = tpu.memref_squeeze %dma_wait3A_1213 : memref<1x400xi32, #tpu.memory_space<vmem>> -> memref<400xi32, #tpu.memory_space<vmem>>
      %dma_wait3A_1215 = tpu.memref_slice %arg2[%min3A_1206] : memref<3276800xi32, #tpu.memory_space<hbm>> -> memref<400xi32, #tpu.memory_space<hbm>>
      tpu.wait_dma2 semaphore(%arg9 : memref<!tpu.dma_semaphore, #tpu.memory_space<semaphore_mem>>) src(%dma_wait3A_1215 : memref<400xi32, #tpu.memory_space<hbm>>) dst(%dma_wait3A_1214 : memref<400xi32, #tpu.memory_space<vmem>>)
      %dma_start3A_1216 = arith.constant 2 : i32
      %dma_start3A_1217 = arith.constant 2 : i32
      %dma_start3A_1218 = arith.constant 0 : i32
      %dma_start3A_1219 = arith.constant 0 : i32
      %dma_start3A_1220 = tpu.memref_slice %arg6[%dma_start3A_1217, %dma_start3A_1218, %dma_start3A_1219] : memref<4x400x64xf32, #tpu.memory_space<vmem>> -> memref<1x400x64xf32, #tpu.memory_space<vmem>>
      %dma_start3A_1221 = tpu.memref_squeeze %dma_start3A_1220 : memref<1x400x64xf32, #tpu.memory_space<vmem>> -> memref<400x64xf32, #tpu.memory_space<vmem>>
      %dma_start3A_1222 = arith.constant 0 : i32
      %dma_start3A_1223 = tpu.memref_slice %arg5[%dma_start3A_1216, %dma_start3A_1222] : memref<4x400xi32, #tpu.memory_space<vmem>> -> memref<1x400xi32, #tpu.memory_space<vmem>>
      %dma_start3A_1224 = tpu.memref_squeeze %dma_start3A_1223 : memref<1x400xi32, #tpu.memory_space<vmem>> -> memref<400xi32, #tpu.memory_space<vmem>>
      %dma_start3A_1225 = arith.constant 0 : i32
      %dma_start3A_1226 = arith.constant 0 : i32
      %dma_start3A_1227 = tpu.memref_slice %arg3[%dma_start3A_1225, %dma_start3A_1226] : memref<1000000x64xf32, #tpu.memory_space<hbm>> -> memref<1000000x64xf32, #tpu.memory_space<hbm>>
      tpu.enqueue_indirect_dma source(%dma_start3A_1227 : memref<1000000x64xf32, #tpu.memory_space<hbm>>) target(%dma_start3A_1221 : memref<400x64xf32, #tpu.memory_space<vmem>>) offsets(%dma_start3A_1224 : memref<400xi32, #tpu.memory_space<vmem>>) semaphore(%arg13 : memref<!tpu.dma_semaphore, #tpu.memory_space<semaphore_mem>>)
      %dma_wait3A_1228 = arith.constant 0 : i32
      %dma_wait3A_1229 = arith.constant 0 : i32
      %dma_wait3A_1230 = arith.constant 0 : i32
      %dma_wait3A_1231 = arith.constant 0 : i32
      %dma_wait3A_1232 = tpu.memref_slice %arg6[%dma_wait3A_1229, %dma_wait3A_1230, %dma_wait3A_1231] : memref<4x400x64xf32, #tpu.memory_space<vmem>> -> memref<1x400x64xf32, #tpu.memory_space<vmem>>
      %dma_wait3A_1233 = tpu.memref_squeeze %dma_wait3A_1232 : memref<1x400x64xf32, #tpu.memory_space<vmem>> -> memref<400x64xf32, #tpu.memory_space<vmem>>
      %dma_wait3A_1234 = arith.constant 0 : i32
      %dma_wait3A_1235 = tpu.memref_slice %arg5[%dma_wait3A_1228, %dma_wait3A_1234] : memref<4x400xi32, #tpu.memory_space<vmem>> -> memref<1x400xi32, #tpu.memory_space<vmem>>
      %dma_wait3A_1236 = tpu.memref_squeeze %dma_wait3A_1235 : memref<1x400xi32, #tpu.memory_space<vmem>> -> memref<400xi32, #tpu.memory_space<vmem>>
      %dma_wait3A_1237 = arith.constant 0 : i32
      %dma_wait3A_1238 = arith.constant 0 : i32
      %dma_wait3A_1239 = tpu.memref_slice %arg3[%dma_wait3A_1237, %dma_wait3A_1238] : memref<1000000x64xf32, #tpu.memory_space<hbm>> -> memref<1000000x64xf32, #tpu.memory_space<hbm>>
      tpu.wait_indirect_dma semaphore(%arg11 : memref<!tpu.dma_semaphore, #tpu.memory_space<semaphore_mem>>) src(%dma_wait3A_1239 : memref<1000000x64xf32, #tpu.memory_space<hbm>>) dst(%dma_wait3A_1233 : memref<400x64xf32, #tpu.memory_space<vmem>>)
      %sub3A_1240 = arith.constant 2 : i32
      %sub3A_1241 = arith.subi %add3A_1135, %sub3A_1240 : i32
      %mul3A_1242 = arith.constant 400 : i32
      %mul3A_1243 = arith.muli %sub3A_1241, %mul3A_1242 : i32
      %add3A_1244 = arith.addi %mul3A_2, %mul3A_1243 : i32
      %jit3A_1245 = arith.constant 200 : i32
      %div3A_1246 = arith.divsi %add3A_1244, %jit3A_1245 : i32
      %sign3A_1247 = arith.constant 0 : i32
      %sign3A_1248 = arith.cmpi sgt, %add3A_1244, %sign3A_1247 : i32
      %sign3A_1249 = arith.extui %sign3A_1248 : i1 to i32
      %sign3A_1250 = arith.constant 0 : i32
      %sign3A_1251 = arith.cmpi slt, %add3A_1244, %sign3A_1250 : i32
      %sign3A_1252 = arith.extui %sign3A_1251 : i1 to i32
      %sign3A_1253 = arith.subi %sign3A_1249, %sign3A_1252 : i32
      %sign3A_1254 = arith.constant 0 : i32
      %sign3A_1255 = arith.cmpi sgt, %jit3A_1245, %sign3A_1254 : i32
      %sign3A_1256 = arith.extui %sign3A_1255 : i1 to i32
      %sign3A_1257 = arith.constant 0 : i32
      %sign3A_1258 = arith.cmpi slt, %jit3A_1245, %sign3A_1257 : i32
      %sign3A_1259 = arith.extui %sign3A_1258 : i1 to i32
      %sign3A_1260 = arith.subi %sign3A_1256, %sign3A_1259 : i32
      %ne3A_1261 = arith.cmpi ne, %sign3A_1253, %sign3A_1260 : i32
      %rem3A_1262 = arith.remsi %add3A_1244, %jit3A_1245 : i32
      %ne3A_1263 = arith.constant 0 : i32
      %ne3A_1264 = arith.cmpi ne, %rem3A_1262, %ne3A_1263 : i32
      %and3A_1265 = arith.andi %ne3A_1261, %ne3A_1264 : i1
      %sub3A_1266 = arith.constant 1 : i32
      %sub3A_1267 = arith.subi %div3A_1246, %sub3A_1266 : i32
      %select_n3A_1268 = arith.select %and3A_1265, %sub3A_1267, %div3A_1246 : i32
      %add3A_1269 = arith.constant 0 : i32
      %add3A_1270 = arith.addi %select_n3A_1268, %add3A_1269 : i32
      %add3A_1271 = arith.constant 1 : i32
      %add3A_1272 = arith.addi %select_n3A_1268, %add3A_1271 : i32
      %dma_start3A_1273 = arith.constant 0 : i32
      %dma_start3A_1274 = arith.constant 0 : i32
      %dma_start3A_1275 = arith.constant 0 : i32
      %dma_start3A_1276 = tpu.memref_slice %arg6[%dma_start3A_1273, %dma_start3A_1274, %dma_start3A_1275] : memref<4x400x64xf32, #tpu.memory_space<vmem>> -> memref<1x200x64xf32, #tpu.memory_space<vmem>>
      %dma_start3A_1277 = tpu.memref_squeeze %dma_start3A_1276 : memref<1x200x64xf32, #tpu.memory_space<vmem>> -> memref<200x64xf32, #tpu.memory_space<vmem>>
      %dma_start3A_1278 = arith.constant 0 : i32
      %dma_start3A_1279 = arith.constant 0 : i32
      %dma_start3A_1280 = tpu.memref_slice %arg4[%add3A_1270, %dma_start3A_1278, %dma_start3A_1279] : memref<16384x200x128xf32, #tpu.memory_space<hbm>> -> memref<1x200x64xf32, #tpu.memory_space<hbm>>
      %dma_start3A_1281 = tpu.memref_squeeze %dma_start3A_1280 : memref<1x200x64xf32, #tpu.memory_space<hbm>> -> memref<200x64xf32, #tpu.memory_space<hbm>>
      %dma_start3A_1282 = arith.constant 0 : i32
      %dma_start3A_1283 = arith.constant 0 : i32
      %dma_start3A_1284 = tpu.memref_slice %arg4[%add3A_1270, %dma_start3A_1282, %dma_start3A_1283] : memref<16384x200x128xf32, #tpu.memory_space<hbm>> -> memref<1x200x64xf32, #tpu.memory_space<hbm>>
      %dma_start3A_1285 = tpu.memref_squeeze %dma_start3A_1284 : memref<1x200x64xf32, #tpu.memory_space<hbm>> -> memref<200x64xf32, #tpu.memory_space<hbm>>
      %dma_start3A_1286 = arith.constant 0 : i32
      %dma_start3A_1287 = arith.constant 0 : i32
      %dma_start3A_1288 = tpu.memref_slice %arg6[%dma_start3A_1273, %dma_start3A_1286, %dma_start3A_1287] : memref<4x400x64xf32, #tpu.memory_space<vmem>> -> memref<1x200x64xf32, #tpu.memory_space<vmem>>
      %dma_start3A_1289 = tpu.memref_squeeze %dma_start3A_1288 : memref<1x200x64xf32, #tpu.memory_space<vmem>> -> memref<200x64xf32, #tpu.memory_space<vmem>>
      tpu.enqueue_dma source(%dma_start3A_1289 : memref<200x64xf32, #tpu.memory_space<vmem>>) target(%dma_start3A_1285 : memref<200x64xf32, #tpu.memory_space<hbm>>) target_semaphore(%arg15 : memref<!tpu.dma_semaphore, #tpu.memory_space<semaphore_mem>>)
      %dma_start3A_1290 = arith.constant 0 : i32
      %dma_start3A_1291 = arith.constant 200 : i32
      %dma_start3A_1292 = arith.constant 0 : i32
      %dma_start3A_1293 = tpu.memref_slice %arg6[%dma_start3A_1290, %dma_start3A_1291, %dma_start3A_1292] : memref<4x400x64xf32, #tpu.memory_space<vmem>> -> memref<1x200x64xf32, #tpu.memory_space<vmem>>
      %dma_start3A_1294 = tpu.memref_squeeze %dma_start3A_1293 : memref<1x200x64xf32, #tpu.memory_space<vmem>> -> memref<200x64xf32, #tpu.memory_space<vmem>>
      %dma_start3A_1295 = arith.constant 0 : i32
      %dma_start3A_1296 = arith.constant 0 : i32
      %dma_start3A_1297 = tpu.memref_slice %arg4[%add3A_1272, %dma_start3A_1295, %dma_start3A_1296] : memref<16384x200x128xf32, #tpu.memory_space<hbm>> -> memref<1x200x64xf32, #tpu.memory_space<hbm>>
      %dma_start3A_1298 = tpu.memref_squeeze %dma_start3A_1297 : memref<1x200x64xf32, #tpu.memory_space<hbm>> -> memref<200x64xf32, #tpu.memory_space<hbm>>
      %dma_start3A_1299 = arith.constant 0 : i32
      %dma_start3A_1300 = arith.constant 0 : i32
      %dma_start3A_1301 = tpu.memref_slice %arg4[%add3A_1272, %dma_start3A_1299, %dma_start3A_1300] : memref<16384x200x128xf32, #tpu.memory_space<hbm>> -> memref<1x200x64xf32, #tpu.memory_space<hbm>>
      %dma_start3A_1302 = tpu.memref_squeeze %dma_start3A_1301 : memref<1x200x64xf32, #tpu.memory_space<hbm>> -> memref<200x64xf32, #tpu.memory_space<hbm>>
      %dma_start3A_1303 = arith.constant 200 : i32
      %dma_start3A_1304 = arith.constant 0 : i32
      %dma_start3A_1305 = tpu.memref_slice %arg6[%dma_start3A_1290, %dma_start3A_1303, %dma_start3A_1304] : memref<4x400x64xf32, #tpu.memory_space<vmem>> -> memref<1x200x64xf32, #tpu.memory_space<vmem>>
      %dma_start3A_1306 = tpu.memref_squeeze %dma_start3A_1305 : memref<1x200x64xf32, #tpu.memory_space<vmem>> -> memref<200x64xf32, #tpu.memory_space<vmem>>
      tpu.enqueue_dma source(%dma_start3A_1306 : memref<200x64xf32, #tpu.memory_space<vmem>>) target(%dma_start3A_1302 : memref<200x64xf32, #tpu.memory_space<hbm>>) target_semaphore(%arg15 : memref<!tpu.dma_semaphore, #tpu.memory_space<semaphore_mem>>)
      %add3A_1307 = arith.constant 2 : i32
      %add3A_1308 = arith.addi %add3A_1135, %add3A_1307 : i32
      %mul3A_1309 = arith.constant 400 : i32
      %mul3A_1310 = arith.muli %add3A_1308, %mul3A_1309 : i32
      %add3A_1311 = arith.addi %mul3A_2, %mul3A_1310 : i32
      %min3A_1312 = arith.minsi %add3A_1311, %add3A_4 : i32
      %dma_start3A_1313 = arith.constant 0 : i32
      %dma_start3A_1314 = arith.constant 0 : i32
      %dma_start3A_1315 = tpu.memref_slice %arg5[%dma_start3A_1313, %dma_start3A_1314] : memref<4x400xi32, #tpu.memory_space<vmem>> -> memref<1x400xi32, #tpu.memory_space<vmem>>
      %dma_start3A_1316 = tpu.memref_squeeze %dma_start3A_1315 : memref<1x400xi32, #tpu.memory_space<vmem>> -> memref<400xi32, #tpu.memory_space<vmem>>
      %dma_start3A_1317 = tpu.memref_slice %arg2[%min3A_1312] : memref<3276800xi32, #tpu.memory_space<hbm>> -> memref<400xi32, #tpu.memory_space<hbm>>
      %dma_start3A_1318 = arith.constant 0 : i32
      %dma_start3A_1319 = tpu.memref_slice %arg5[%dma_start3A_1313, %dma_start3A_1318] : memref<4x400xi32, #tpu.memory_space<vmem>> -> memref<1x400xi32, #tpu.memory_space<vmem>>
      %dma_start3A_1320 = tpu.memref_squeeze %dma_start3A_1319 : memref<1x400xi32, #tpu.memory_space<vmem>> -> memref<400xi32, #tpu.memory_space<vmem>>
      %dma_start3A_1321 = tpu.memref_slice %arg2[%min3A_1312] : memref<3276800xi32, #tpu.memory_space<hbm>> -> memref<400xi32, #tpu.memory_space<hbm>>
      tpu.enqueue_dma source(%dma_start3A_1321 : memref<400xi32, #tpu.memory_space<hbm>>) target(%dma_start3A_1320 : memref<400xi32, #tpu.memory_space<vmem>>) target_semaphore(%arg7 : memref<!tpu.dma_semaphore, #tpu.memory_space<semaphore_mem>>)
      %mul3A_1322 = arith.constant 4 : i32
      %mul3A_1323 = arith.muli %mul3A_1322, %scan3A_751 : i32
      %add3A_1324 = arith.constant 3 : i32
      %add3A_1325 = arith.addi %mul3A_1323, %add3A_1324 : i32
      %sub3A_1326 = arith.constant 4 : i32
      %sub3A_1327 = arith.subi %add3A_1325, %sub3A_1326 : i32
      %mul3A_1328 = arith.constant 400 : i32
      %mul3A_1329 = arith.muli %sub3A_1327, %mul3A_1328 : i32
      %add3A_1330 = arith.addi %mul3A_2, %mul3A_1329 : i32
      %jit3A_1331 = arith.constant 200 : i32
      %div3A_1332 = arith.divsi %add3A_1330, %jit3A_1331 : i32
      %sign3A_1333 = arith.constant 0 : i32
      %sign3A_1334 = arith.cmpi sgt, %add3A_1330, %sign3A_1333 : i32
      %sign3A_1335 = arith.extui %sign3A_1334 : i1 to i32
      %sign3A_1336 = arith.constant 0 : i32
      %sign3A_1337 = arith.cmpi slt, %add3A_1330, %sign3A_1336 : i32
      %sign3A_1338 = arith.extui %sign3A_1337 : i1 to i32
      %sign3A_1339 = arith.subi %sign3A_1335, %sign3A_1338 : i32
      %sign3A_1340 = arith.constant 0 : i32
      %sign3A_1341 = arith.cmpi sgt, %jit3A_1331, %sign3A_1340 : i32
      %sign3A_1342 = arith.extui %sign3A_1341 : i1 to i32
      %sign3A_1343 = arith.constant 0 : i32
      %sign3A_1344 = arith.cmpi slt, %jit3A_1331, %sign3A_1343 : i32
      %sign3A_1345 = arith.extui %sign3A_1344 : i1 to i32
      %sign3A_1346 = arith.subi %sign3A_1342, %sign3A_1345 : i32
      %ne3A_1347 = arith.cmpi ne, %sign3A_1339, %sign3A_1346 : i32
      %rem3A_1348 = arith.remsi %add3A_1330, %jit3A_1331 : i32
      %ne3A_1349 = arith.constant 0 : i32
      %ne3A_1350 = arith.cmpi ne, %rem3A_1348, %ne3A_1349 : i32
      %and3A_1351 = arith.andi %ne3A_1347, %ne3A_1350 : i1
      %sub3A_1352 = arith.constant 1 : i32
      %sub3A_1353 = arith.subi %div3A_1332, %sub3A_1352 : i32
      %select_n3A_1354 = arith.select %and3A_1351, %sub3A_1353, %div3A_1332 : i32
      %add3A_1355 = arith.constant 0 : i32
      %add3A_1356 = arith.addi %select_n3A_1354, %add3A_1355 : i32
      %add3A_1357 = arith.constant 1 : i32
      %add3A_1358 = arith.addi %select_n3A_1354, %add3A_1357 : i32
      %dma_wait3A_1359 = arith.constant 3 : i32
      %dma_wait3A_1360 = arith.constant 0 : i32
      %dma_wait3A_1361 = arith.constant 0 : i32
      %dma_wait3A_1362 = tpu.memref_slice %arg6[%dma_wait3A_1359, %dma_wait3A_1360, %dma_wait3A_1361] : memref<4x400x64xf32, #tpu.memory_space<vmem>> -> memref<1x200x64xf32, #tpu.memory_space<vmem>>
      %dma_wait3A_1363 = tpu.memref_squeeze %dma_wait3A_1362 : memref<1x200x64xf32, #tpu.memory_space<vmem>> -> memref<200x64xf32, #tpu.memory_space<vmem>>
      %dma_wait3A_1364 = arith.constant 0 : i32
      %dma_wait3A_1365 = arith.constant 0 : i32
      %dma_wait3A_1366 = tpu.memref_slice %arg4[%add3A_1356, %dma_wait3A_1364, %dma_wait3A_1365] : memref<16384x200x128xf32, #tpu.memory_space<hbm>> -> memref<1x200x64xf32, #tpu.memory_space<hbm>>
      %dma_wait3A_1367 = tpu.memref_squeeze %dma_wait3A_1366 : memref<1x200x64xf32, #tpu.memory_space<hbm>> -> memref<200x64xf32, #tpu.memory_space<hbm>>
      %dma_wait3A_1368 = arith.constant 0 : i32
      %dma_wait3A_1369 = arith.constant 0 : i32
      %dma_wait3A_1370 = tpu.memref_slice %arg4[%add3A_1356, %dma_wait3A_1368, %dma_wait3A_1369] : memref<16384x200x128xf32, #tpu.memory_space<hbm>> -> memref<1x200x64xf32, #tpu.memory_space<hbm>>
      %dma_wait3A_1371 = tpu.memref_squeeze %dma_wait3A_1370 : memref<1x200x64xf32, #tpu.memory_space<hbm>> -> memref<200x64xf32, #tpu.memory_space<hbm>>
      %dma_wait3A_1372 = arith.constant 0 : i32
      %dma_wait3A_1373 = arith.constant 0 : i32
      %dma_wait3A_1374 = tpu.memref_slice %arg6[%dma_wait3A_1359, %dma_wait3A_1372, %dma_wait3A_1373] : memref<4x400x64xf32, #tpu.memory_space<vmem>> -> memref<1x200x64xf32, #tpu.memory_space<vmem>>
      %dma_wait3A_1375 = tpu.memref_squeeze %dma_wait3A_1374 : memref<1x200x64xf32, #tpu.memory_space<vmem>> -> memref<200x64xf32, #tpu.memory_space<vmem>>
      tpu.wait_dma2 semaphore(%arg18 : memref<!tpu.dma_semaphore, #tpu.memory_space<semaphore_mem>>) src(%dma_wait3A_1375 : memref<200x64xf32, #tpu.memory_space<vmem>>) dst(%dma_wait3A_1371 : memref<200x64xf32, #tpu.memory_space<hbm>>)
      %dma_wait3A_1376 = arith.constant 3 : i32
      %dma_wait3A_1377 = arith.constant 200 : i32
      %dma_wait3A_1378 = arith.constant 0 : i32
      %dma_wait3A_1379 = tpu.memref_slice %arg6[%dma_wait3A_1376, %dma_wait3A_1377, %dma_wait3A_1378] : memref<4x400x64xf32, #tpu.memory_space<vmem>> -> memref<1x200x64xf32, #tpu.memory_space<vmem>>
      %dma_wait3A_1380 = tpu.memref_squeeze %dma_wait3A_1379 : memref<1x200x64xf32, #tpu.memory_space<vmem>> -> memref<200x64xf32, #tpu.memory_space<vmem>>
      %dma_wait3A_1381 = arith.constant 0 : i32
      %dma_wait3A_1382 = arith.constant 0 : i32
      %dma_wait3A_1383 = tpu.memref_slice %arg4[%add3A_1358, %dma_wait3A_1381, %dma_wait3A_1382] : memref<16384x200x128xf32, #tpu.memory_space<hbm>> -> memref<1x200x64xf32, #tpu.memory_space<hbm>>
      %dma_wait3A_1384 = tpu.memref_squeeze %dma_wait3A_1383 : memref<1x200x64xf32, #tpu.memory_space<hbm>> -> memref<200x64xf32, #tpu.memory_space<hbm>>
      %dma_wait3A_1385 = arith.constant 0 : i32
      %dma_wait3A_1386 = arith.constant 0 : i32
      %dma_wait3A_1387 = tpu.memref_slice %arg4[%add3A_1358, %dma_wait3A_1385, %dma_wait3A_1386] : memref<16384x200x128xf32, #tpu.memory_space<hbm>> -> memref<1x200x64xf32, #tpu.memory_space<hbm>>
      %dma_wait3A_1388 = tpu.memref_squeeze %dma_wait3A_1387 : memref<1x200x64xf32, #tpu.memory_space<hbm>> -> memref<200x64xf32, #tpu.memory_space<hbm>>
      %dma_wait3A_1389 = arith.constant 200 : i32
      %dma_wait3A_1390 = arith.constant 0 : i32
      %dma_wait3A_1391 = tpu.memref_slice %arg6[%dma_wait3A_1376, %dma_wait3A_1389, %dma_wait3A_1390] : memref<4x400x64xf32, #tpu.memory_space<vmem>> -> memref<1x200x64xf32, #tpu.memory_space<vmem>>
      %dma_wait3A_1392 = tpu.memref_squeeze %dma_wait3A_1391 : memref<1x200x64xf32, #tpu.memory_space<vmem>> -> memref<200x64xf32, #tpu.memory_space<vmem>>
      tpu.wait_dma2 semaphore(%arg18 : memref<!tpu.dma_semaphore, #tpu.memory_space<semaphore_mem>>) src(%dma_wait3A_1392 : memref<200x64xf32, #tpu.memory_space<vmem>>) dst(%dma_wait3A_1388 : memref<200x64xf32, #tpu.memory_space<hbm>>)
      %mul3A_1393 = arith.constant 400 : i32
      %mul3A_1394 = arith.muli %add3A_1325, %mul3A_1393 : i32
      %add3A_1395 = arith.addi %mul3A_2, %mul3A_1394 : i32
      %min3A_1396 = arith.minsi %add3A_1395, %add3A_4 : i32
      %dma_wait3A_1397 = arith.constant 3 : i32
      %dma_wait3A_1398 = arith.constant 0 : i32
      %dma_wait3A_1399 = tpu.memref_slice %arg5[%dma_wait3A_1397, %dma_wait3A_1398] : memref<4x400xi32, #tpu.memory_space<vmem>> -> memref<1x400xi32, #tpu.memory_space<vmem>>
      %dma_wait3A_1400 = tpu.memref_squeeze %dma_wait3A_1399 : memref<1x400xi32, #tpu.memory_space<vmem>> -> memref<400xi32, #tpu.memory_space<vmem>>
      %dma_wait3A_1401 = tpu.memref_slice %arg2[%min3A_1396] : memref<3276800xi32, #tpu.memory_space<hbm>> -> memref<400xi32, #tpu.memory_space<hbm>>
      %dma_wait3A_1402 = arith.constant 0 : i32
      %dma_wait3A_1403 = tpu.memref_slice %arg5[%dma_wait3A_1397, %dma_wait3A_1402] : memref<4x400xi32, #tpu.memory_space<vmem>> -> memref<1x400xi32, #tpu.memory_space<vmem>>
      %dma_wait3A_1404 = tpu.memref_squeeze %dma_wait3A_1403 : memref<1x400xi32, #tpu.memory_space<vmem>> -> memref<400xi32, #tpu.memory_space<vmem>>
      %dma_wait3A_1405 = tpu.memref_slice %arg2[%min3A_1396] : memref<3276800xi32, #tpu.memory_space<hbm>> -> memref<400xi32, #tpu.memory_space<hbm>>
      tpu.wait_dma2 semaphore(%arg10 : memref<!tpu.dma_semaphore, #tpu.memory_space<semaphore_mem>>) src(%dma_wait3A_1405 : memref<400xi32, #tpu.memory_space<hbm>>) dst(%dma_wait3A_1404 : memref<400xi32, #tpu.memory_space<vmem>>)
      %dma_start3A_1406 = arith.constant 3 : i32
      %dma_start3A_1407 = arith.constant 3 : i32
      %dma_start3A_1408 = arith.constant 0 : i32
      %dma_start3A_1409 = arith.constant 0 : i32
      %dma_start3A_1410 = tpu.memref_slice %arg6[%dma_start3A_1407, %dma_start3A_1408, %dma_start3A_1409] : memref<4x400x64xf32, #tpu.memory_space<vmem>> -> memref<1x400x64xf32, #tpu.memory_space<vmem>>
      %dma_start3A_1411 = tpu.memref_squeeze %dma_start3A_1410 : memref<1x400x64xf32, #tpu.memory_space<vmem>> -> memref<400x64xf32, #tpu.memory_space<vmem>>
      %dma_start3A_1412 = arith.constant 0 : i32
      %dma_start3A_1413 = tpu.memref_slice %arg5[%dma_start3A_1406, %dma_start3A_1412] : memref<4x400xi32, #tpu.memory_space<vmem>> -> memref<1x400xi32, #tpu.memory_space<vmem>>
      %dma_start3A_1414 = tpu.memref_squeeze %dma_start3A_1413 : memref<1x400xi32, #tpu.memory_space<vmem>> -> memref<400xi32, #tpu.memory_space<vmem>>
      %dma_start3A_1415 = arith.constant 0 : i32
      %dma_start3A_1416 = arith.constant 0 : i32
      %dma_start3A_1417 = tpu.memref_slice %arg3[%dma_start3A_1415, %dma_start3A_1416] : memref<1000000x64xf32, #tpu.memory_space<hbm>> -> memref<1000000x64xf32, #tpu.memory_space<hbm>>
      tpu.enqueue_indirect_dma source(%dma_start3A_1417 : memref<1000000x64xf32, #tpu.memory_space<hbm>>) target(%dma_start3A_1411 : memref<400x64xf32, #tpu.memory_space<vmem>>) offsets(%dma_start3A_1414 : memref<400xi32, #tpu.memory_space<vmem>>) semaphore(%arg14 : memref<!tpu.dma_semaphore, #tpu.memory_space<semaphore_mem>>)
      %dma_wait3A_1418 = arith.constant 1 : i32
      %dma_wait3A_1419 = arith.constant 1 : i32
      %dma_wait3A_1420 = arith.constant 0 : i32
      %dma_wait3A_1421 = arith.constant 0 : i32
      %dma_wait3A_1422 = tpu.memref_slice %arg6[%dma_wait3A_1419, %dma_wait3A_1420, %dma_wait3A_1421] : memref<4x400x64xf32, #tpu.memory_space<vmem>> -> memref<1x400x64xf32, #tpu.memory_space<vmem>>
      %dma_wait3A_1423 = tpu.memref_squeeze %dma_wait3A_1422 : memref<1x400x64xf32, #tpu.memory_space<vmem>> -> memref<400x64xf32, #tpu.memory_space<vmem>>
      %dma_wait3A_1424 = arith.constant 0 : i32
      %dma_wait3A_1425 = tpu.memref_slice %arg5[%dma_wait3A_1418, %dma_wait3A_1424] : memref<4x400xi32, #tpu.memory_space<vmem>> -> memref<1x400xi32, #tpu.memory_space<vmem>>
      %dma_wait3A_1426 = tpu.memref_squeeze %dma_wait3A_1425 : memref<1x400xi32, #tpu.memory_space<vmem>> -> memref<400xi32, #tpu.memory_space<vmem>>
      %dma_wait3A_1427 = arith.constant 0 : i32
      %dma_wait3A_1428 = arith.constant 0 : i32
      %dma_wait3A_1429 = tpu.memref_slice %arg3[%dma_wait3A_1427, %dma_wait3A_1428] : memref<1000000x64xf32, #tpu.memory_space<hbm>> -> memref<1000000x64xf32, #tpu.memory_space<hbm>>
      tpu.wait_indirect_dma semaphore(%arg12 : memref<!tpu.dma_semaphore, #tpu.memory_space<semaphore_mem>>) src(%dma_wait3A_1429 : memref<1000000x64xf32, #tpu.memory_space<hbm>>) dst(%dma_wait3A_1423 : memref<400x64xf32, #tpu.memory_space<vmem>>)
      %sub3A_1430 = arith.constant 2 : i32
      %sub3A_1431 = arith.subi %add3A_1325, %sub3A_1430 : i32
      %mul3A_1432 = arith.constant 400 : i32
      %mul3A_1433 = arith.muli %sub3A_1431, %mul3A_1432 : i32
      %add3A_1434 = arith.addi %mul3A_2, %mul3A_1433 : i32
      %jit3A_1435 = arith.constant 200 : i32
      %div3A_1436 = arith.divsi %add3A_1434, %jit3A_1435 : i32
      %sign3A_1437 = arith.constant 0 : i32
      %sign3A_1438 = arith.cmpi sgt, %add3A_1434, %sign3A_1437 : i32
      %sign3A_1439 = arith.extui %sign3A_1438 : i1 to i32
      %sign3A_1440 = arith.constant 0 : i32
      %sign3A_1441 = arith.cmpi slt, %add3A_1434, %sign3A_1440 : i32
      %sign3A_1442 = arith.extui %sign3A_1441 : i1 to i32
      %sign3A_1443 = arith.subi %sign3A_1439, %sign3A_1442 : i32
      %sign3A_1444 = arith.constant 0 : i32
      %sign3A_1445 = arith.cmpi sgt, %jit3A_1435, %sign3A_1444 : i32
      %sign3A_1446 = arith.extui %sign3A_1445 : i1 to i32
      %sign3A_1447 = arith.constant 0 : i32
      %sign3A_1448 = arith.cmpi slt, %jit3A_1435, %sign3A_1447 : i32
      %sign3A_1449 = arith.extui %sign3A_1448 : i1 to i32
      %sign3A_1450 = arith.subi %sign3A_1446, %sign3A_1449 : i32
      %ne3A_1451 = arith.cmpi ne, %sign3A_1443, %sign3A_1450 : i32
      %rem3A_1452 = arith.remsi %add3A_1434, %jit3A_1435 : i32
      %ne3A_1453 = arith.constant 0 : i32
      %ne3A_1454 = arith.cmpi ne, %rem3A_1452, %ne3A_1453 : i32
      %and3A_1455 = arith.andi %ne3A_1451, %ne3A_1454 : i1
      %sub3A_1456 = arith.constant 1 : i32
      %sub3A_1457 = arith.subi %div3A_1436, %sub3A_1456 : i32
      %select_n3A_1458 = arith.select %and3A_1455, %sub3A_1457, %div3A_1436 : i32
      %add3A_1459 = arith.constant 0 : i32
      %add3A_1460 = arith.addi %select_n3A_1458, %add3A_1459 : i32
      %add3A_1461 = arith.constant 1 : i32
      %add3A_1462 = arith.addi %select_n3A_1458, %add3A_1461 : i32
      %dma_start3A_1463 = arith.constant 1 : i32
      %dma_start3A_1464 = arith.constant 0 : i32
      %dma_start3A_1465 = arith.constant 0 : i32
      %dma_start3A_1466 = tpu.memref_slice %arg6[%dma_start3A_1463, %dma_start3A_1464, %dma_start3A_1465] : memref<4x400x64xf32, #tpu.memory_space<vmem>> -> memref<1x200x64xf32, #tpu.memory_space<vmem>>
      %dma_start3A_1467 = tpu.memref_squeeze %dma_start3A_1466 : memref<1x200x64xf32, #tpu.memory_space<vmem>> -> memref<200x64xf32, #tpu.memory_space<vmem>>
      %dma_start3A_1468 = arith.constant 0 : i32
      %dma_start3A_1469 = arith.constant 0 : i32
      %dma_start3A_1470 = tpu.memref_slice %arg4[%add3A_1460, %dma_start3A_1468, %dma_start3A_1469] : memref<16384x200x128xf32, #tpu.memory_space<hbm>> -> memref<1x200x64xf32, #tpu.memory_space<hbm>>
      %dma_start3A_1471 = tpu.memref_squeeze %dma_start3A_1470 : memref<1x200x64xf32, #tpu.memory_space<hbm>> -> memref<200x64xf32, #tpu.memory_space<hbm>>
      %dma_start3A_1472 = arith.constant 0 : i32
      %dma_start3A_1473 = arith.constant 0 : i32
      %dma_start3A_1474 = tpu.memref_slice %arg4[%add3A_1460, %dma_start3A_1472, %dma_start3A_1473] : memref<16384x200x128xf32, #tpu.memory_space<hbm>> -> memref<1x200x64xf32, #tpu.memory_space<hbm>>
      %dma_start3A_1475 = tpu.memref_squeeze %dma_start3A_1474 : memref<1x200x64xf32, #tpu.memory_space<hbm>> -> memref<200x64xf32, #tpu.memory_space<hbm>>
      %dma_start3A_1476 = arith.constant 0 : i32
      %dma_start3A_1477 = arith.constant 0 : i32
      %dma_start3A_1478 = tpu.memref_slice %arg6[%dma_start3A_1463, %dma_start3A_1476, %dma_start3A_1477] : memref<4x400x64xf32, #tpu.memory_space<vmem>> -> memref<1x200x64xf32, #tpu.memory_space<vmem>>
      %dma_start3A_1479 = tpu.memref_squeeze %dma_start3A_1478 : memref<1x200x64xf32, #tpu.memory_space<vmem>> -> memref<200x64xf32, #tpu.memory_space<vmem>>
      tpu.enqueue_dma source(%dma_start3A_1479 : memref<200x64xf32, #tpu.memory_space<vmem>>) target(%dma_start3A_1475 : memref<200x64xf32, #tpu.memory_space<hbm>>) target_semaphore(%arg16 : memref<!tpu.dma_semaphore, #tpu.memory_space<semaphore_mem>>)
      %dma_start3A_1480 = arith.constant 1 : i32
      %dma_start3A_1481 = arith.constant 200 : i32
      %dma_start3A_1482 = arith.constant 0 : i32
      %dma_start3A_1483 = tpu.memref_slice %arg6[%dma_start3A_1480, %dma_start3A_1481, %dma_start3A_1482] : memref<4x400x64xf32, #tpu.memory_space<vmem>> -> memref<1x200x64xf32, #tpu.memory_space<vmem>>
      %dma_start3A_1484 = tpu.memref_squeeze %dma_start3A_1483 : memref<1x200x64xf32, #tpu.memory_space<vmem>> -> memref<200x64xf32, #tpu.memory_space<vmem>>
      %dma_start3A_1485 = arith.constant 0 : i32
      %dma_start3A_1486 = arith.constant 0 : i32
      %dma_start3A_1487 = tpu.memref_slice %arg4[%add3A_1462, %dma_start3A_1485, %dma_start3A_1486] : memref<16384x200x128xf32, #tpu.memory_space<hbm>> -> memref<1x200x64xf32, #tpu.memory_space<hbm>>
      %dma_start3A_1488 = tpu.memref_squeeze %dma_start3A_1487 : memref<1x200x64xf32, #tpu.memory_space<hbm>> -> memref<200x64xf32, #tpu.memory_space<hbm>>
      %dma_start3A_1489 = arith.constant 0 : i32
      %dma_start3A_1490 = arith.constant 0 : i32
      %dma_start3A_1491 = tpu.memref_slice %arg4[%add3A_1462, %dma_start3A_1489, %dma_start3A_1490] : memref<16384x200x128xf32, #tpu.memory_space<hbm>> -> memref<1x200x64xf32, #tpu.memory_space<hbm>>
      %dma_start3A_1492 = tpu.memref_squeeze %dma_start3A_1491 : memref<1x200x64xf32, #tpu.memory_space<hbm>> -> memref<200x64xf32, #tpu.memory_space<hbm>>
      %dma_start3A_1493 = arith.constant 200 : i32
      %dma_start3A_1494 = arith.constant 0 : i32
      %dma_start3A_1495 = tpu.memref_slice %arg6[%dma_start3A_1480, %dma_start3A_1493, %dma_start3A_1494] : memref<4x400x64xf32, #tpu.memory_space<vmem>> -> memref<1x200x64xf32, #tpu.memory_space<vmem>>
      %dma_start3A_1496 = tpu.memref_squeeze %dma_start3A_1495 : memref<1x200x64xf32, #tpu.memory_space<vmem>> -> memref<200x64xf32, #tpu.memory_space<vmem>>
      tpu.enqueue_dma source(%dma_start3A_1496 : memref<200x64xf32, #tpu.memory_space<vmem>>) target(%dma_start3A_1492 : memref<200x64xf32, #tpu.memory_space<hbm>>) target_semaphore(%arg16 : memref<!tpu.dma_semaphore, #tpu.memory_space<semaphore_mem>>)
      %add3A_1497 = arith.constant 2 : i32
      %add3A_1498 = arith.addi %add3A_1325, %add3A_1497 : i32
      %mul3A_1499 = arith.constant 400 : i32
      %mul3A_1500 = arith.muli %add3A_1498, %mul3A_1499 : i32
      %add3A_1501 = arith.addi %mul3A_2, %mul3A_1500 : i32
      %min3A_1502 = arith.minsi %add3A_1501, %add3A_4 : i32
      %dma_start3A_1503 = arith.constant 1 : i32
      %dma_start3A_1504 = arith.constant 0 : i32
      %dma_start3A_1505 = tpu.memref_slice %arg5[%dma_start3A_1503, %dma_start3A_1504] : memref<4x400xi32, #tpu.memory_space<vmem>> -> memref<1x400xi32, #tpu.memory_space<vmem>>
      %dma_start3A_1506 = tpu.memref_squeeze %dma_start3A_1505 : memref<1x400xi32, #tpu.memory_space<vmem>> -> memref<400xi32, #tpu.memory_space<vmem>>
      %dma_start3A_1507 = tpu.memref_slice %arg2[%min3A_1502] : memref<3276800xi32, #tpu.memory_space<hbm>> -> memref<400xi32, #tpu.memory_space<hbm>>
      %dma_start3A_1508 = arith.constant 0 : i32
      %dma_start3A_1509 = tpu.memref_slice %arg5[%dma_start3A_1503, %dma_start3A_1508] : memref<4x400xi32, #tpu.memory_space<vmem>> -> memref<1x400xi32, #tpu.memory_space<vmem>>
      %dma_start3A_1510 = tpu.memref_squeeze %dma_start3A_1509 : memref<1x400xi32, #tpu.memory_space<vmem>> -> memref<400xi32, #tpu.memory_space<vmem>>
      %dma_start3A_1511 = tpu.memref_slice %arg2[%min3A_1502] : memref<3276800xi32, #tpu.memory_space<hbm>> -> memref<400xi32, #tpu.memory_space<hbm>>
      tpu.enqueue_dma source(%dma_start3A_1511 : memref<400xi32, #tpu.memory_space<hbm>>) target(%dma_start3A_1510 : memref<400xi32, #tpu.memory_space<vmem>>) target_semaphore(%arg8 : memref<!tpu.dma_semaphore, #tpu.memory_space<semaphore_mem>>)
    }
    %scan3A_318 = arith.constant 63 : i32
    %dma_wait3A_319 = arith.constant 2 : i32
    %dma_wait3A_320 = arith.constant 2 : i32
    %dma_wait3A_321 = arith.constant 0 : i32
    %dma_wait3A_322 = arith.constant 0 : i32
    %dma_wait3A_323 = tpu.memref_slice %arg6[%dma_wait3A_320, %dma_wait3A_321, %dma_wait3A_322] : memref<4x400x64xf32, #tpu.memory_space<vmem>> -> memref<1x400x64xf32, #tpu.memory_space<vmem>>
    %dma_wait3A_324 = tpu.memref_squeeze %dma_wait3A_323 : memref<1x400x64xf32, #tpu.memory_space<vmem>> -> memref<400x64xf32, #tpu.memory_space<vmem>>
    %dma_wait3A_325 = arith.constant 0 : i32
    %dma_wait3A_326 = tpu.memref_slice %arg5[%dma_wait3A_319, %dma_wait3A_325] : memref<4x400xi32, #tpu.memory_space<vmem>> -> memref<1x400xi32, #tpu.memory_space<vmem>>
    %dma_wait3A_327 = tpu.memref_squeeze %dma_wait3A_326 : memref<1x400xi32, #tpu.memory_space<vmem>> -> memref<400xi32, #tpu.memory_space<vmem>>
    %dma_wait3A_328 = arith.constant 0 : i32
    %dma_wait3A_329 = arith.constant 0 : i32
    %dma_wait3A_330 = tpu.memref_slice %arg3[%dma_wait3A_328, %dma_wait3A_329] : memref<1000000x64xf32, #tpu.memory_space<hbm>> -> memref<1000000x64xf32, #tpu.memory_space<hbm>>
    tpu.wait_indirect_dma semaphore(%arg13 : memref<!tpu.dma_semaphore, #tpu.memory_space<semaphore_mem>>) src(%dma_wait3A_330 : memref<1000000x64xf32, #tpu.memory_space<hbm>>) dst(%dma_wait3A_324 : memref<400x64xf32, #tpu.memory_space<vmem>>)
    %add3A_331 = arith.constant 101600 : i32
    %add3A_332 = arith.addi %mul3A_2, %add3A_331 : i32
    %jit3A_333 = arith.constant 200 : i32
    %div3A_334 = arith.divsi %add3A_332, %jit3A_333 : i32
    %sign3A_335 = arith.constant 0 : i32
    %sign3A_336 = arith.cmpi sgt, %add3A_332, %sign3A_335 : i32
    %sign3A_337 = arith.extui %sign3A_336 : i1 to i32
    %sign3A_338 = arith.constant 0 : i32
    %sign3A_339 = arith.cmpi slt, %add3A_332, %sign3A_338 : i32
    %sign3A_340 = arith.extui %sign3A_339 : i1 to i32
    %sign3A_341 = arith.subi %sign3A_337, %sign3A_340 : i32
    %sign3A_342 = arith.constant 0 : i32
    %sign3A_343 = arith.cmpi sgt, %jit3A_333, %sign3A_342 : i32
    %sign3A_344 = arith.extui %sign3A_343 : i1 to i32
    %sign3A_345 = arith.constant 0 : i32
    %sign3A_346 = arith.cmpi slt, %jit3A_333, %sign3A_345 : i32
    %sign3A_347 = arith.extui %sign3A_346 : i1 to i32
    %sign3A_348 = arith.subi %sign3A_344, %sign3A_347 : i32
    %ne3A_349 = arith.cmpi ne, %sign3A_341, %sign3A_348 : i32
    %rem3A_350 = arith.remsi %add3A_332, %jit3A_333 : i32
    %ne3A_351 = arith.constant 0 : i32
    %ne3A_352 = arith.cmpi ne, %rem3A_350, %ne3A_351 : i32
    %and3A_353 = arith.andi %ne3A_349, %ne3A_352 : i1
    %sub3A_354 = arith.constant 1 : i32
    %sub3A_355 = arith.subi %div3A_334, %sub3A_354 : i32
    %select_n3A_356 = arith.select %and3A_353, %sub3A_355, %div3A_334 : i32
    %add3A_357 = arith.constant 0 : i32
    %add3A_358 = arith.addi %select_n3A_356, %add3A_357 : i32
    %add3A_359 = arith.constant 1 : i32
    %add3A_360 = arith.addi %select_n3A_356, %add3A_359 : i32
    %dma_start3A_361 = arith.constant 2 : i32
    %dma_start3A_362 = arith.constant 0 : i32
    %dma_start3A_363 = arith.constant 0 : i32
    %dma_start3A_364 = tpu.memref_slice %arg6[%dma_start3A_361, %dma_start3A_362, %dma_start3A_363] : memref<4x400x64xf32, #tpu.memory_space<vmem>> -> memref<1x200x64xf32, #tpu.memory_space<vmem>>
    %dma_start3A_365 = tpu.memref_squeeze %dma_start3A_364 : memref<1x200x64xf32, #tpu.memory_space<vmem>> -> memref<200x64xf32, #tpu.memory_space<vmem>>
    %dma_start3A_366 = arith.constant 0 : i32
    %dma_start3A_367 = arith.constant 0 : i32
    %dma_start3A_368 = tpu.memref_slice %arg4[%add3A_358, %dma_start3A_366, %dma_start3A_367] : memref<16384x200x128xf32, #tpu.memory_space<hbm>> -> memref<1x200x64xf32, #tpu.memory_space<hbm>>
    %dma_start3A_369 = tpu.memref_squeeze %dma_start3A_368 : memref<1x200x64xf32, #tpu.memory_space<hbm>> -> memref<200x64xf32, #tpu.memory_space<hbm>>
    %dma_start3A_370 = arith.constant 0 : i32
    %dma_start3A_371 = arith.constant 0 : i32
    %dma_start3A_372 = tpu.memref_slice %arg4[%add3A_358, %dma_start3A_370, %dma_start3A_371] : memref<16384x200x128xf32, #tpu.memory_space<hbm>> -> memref<1x200x64xf32, #tpu.memory_space<hbm>>
    %dma_start3A_373 = tpu.memref_squeeze %dma_start3A_372 : memref<1x200x64xf32, #tpu.memory_space<hbm>> -> memref<200x64xf32, #tpu.memory_space<hbm>>
    %dma_start3A_374 = arith.constant 0 : i32
    %dma_start3A_375 = arith.constant 0 : i32
    %dma_start3A_376 = tpu.memref_slice %arg6[%dma_start3A_361, %dma_start3A_374, %dma_start3A_375] : memref<4x400x64xf32, #tpu.memory_space<vmem>> -> memref<1x200x64xf32, #tpu.memory_space<vmem>>
    %dma_start3A_377 = tpu.memref_squeeze %dma_start3A_376 : memref<1x200x64xf32, #tpu.memory_space<vmem>> -> memref<200x64xf32, #tpu.memory_space<vmem>>
    tpu.enqueue_dma source(%dma_start3A_377 : memref<200x64xf32, #tpu.memory_space<vmem>>) target(%dma_start3A_373 : memref<200x64xf32, #tpu.memory_space<hbm>>) target_semaphore(%arg17 : memref<!tpu.dma_semaphore, #tpu.memory_space<semaphore_mem>>)
    %dma_start3A_378 = arith.constant 2 : i32
    %dma_start3A_379 = arith.constant 200 : i32
    %dma_start3A_380 = arith.constant 0 : i32
    %dma_start3A_381 = tpu.memref_slice %arg6[%dma_start3A_378, %dma_start3A_379, %dma_start3A_380] : memref<4x400x64xf32, #tpu.memory_space<vmem>> -> memref<1x200x64xf32, #tpu.memory_space<vmem>>
    %dma_start3A_382 = tpu.memref_squeeze %dma_start3A_381 : memref<1x200x64xf32, #tpu.memory_space<vmem>> -> memref<200x64xf32, #tpu.memory_space<vmem>>
    %dma_start3A_383 = arith.constant 0 : i32
    %dma_start3A_384 = arith.constant 0 : i32
    %dma_start3A_385 = tpu.memref_slice %arg4[%add3A_360, %dma_start3A_383, %dma_start3A_384] : memref<16384x200x128xf32, #tpu.memory_space<hbm>> -> memref<1x200x64xf32, #tpu.memory_space<hbm>>
    %dma_start3A_386 = tpu.memref_squeeze %dma_start3A_385 : memref<1x200x64xf32, #tpu.memory_space<hbm>> -> memref<200x64xf32, #tpu.memory_space<hbm>>
    %dma_start3A_387 = arith.constant 0 : i32
    %dma_start3A_388 = arith.constant 0 : i32
    %dma_start3A_389 = tpu.memref_slice %arg4[%add3A_360, %dma_start3A_387, %dma_start3A_388] : memref<16384x200x128xf32, #tpu.memory_space<hbm>> -> memref<1x200x64xf32, #tpu.memory_space<hbm>>
    %dma_start3A_390 = tpu.memref_squeeze %dma_start3A_389 : memref<1x200x64xf32, #tpu.memory_space<hbm>> -> memref<200x64xf32, #tpu.memory_space<hbm>>
    %dma_start3A_391 = arith.constant 200 : i32
    %dma_start3A_392 = arith.constant 0 : i32
    %dma_start3A_393 = tpu.memref_slice %arg6[%dma_start3A_378, %dma_start3A_391, %dma_start3A_392] : memref<4x400x64xf32, #tpu.memory_space<vmem>> -> memref<1x200x64xf32, #tpu.memory_space<vmem>>
    %dma_start3A_394 = tpu.memref_squeeze %dma_start3A_393 : memref<1x200x64xf32, #tpu.memory_space<vmem>> -> memref<200x64xf32, #tpu.memory_space<vmem>>
    tpu.enqueue_dma source(%dma_start3A_394 : memref<200x64xf32, #tpu.memory_space<vmem>>) target(%dma_start3A_390 : memref<200x64xf32, #tpu.memory_space<hbm>>) target_semaphore(%arg17 : memref<!tpu.dma_semaphore, #tpu.memory_space<semaphore_mem>>)
    %dma_wait3A_395 = arith.constant 3 : i32
    %dma_wait3A_396 = arith.constant 3 : i32
    %dma_wait3A_397 = arith.constant 0 : i32
    %dma_wait3A_398 = arith.constant 0 : i32
    %dma_wait3A_399 = tpu.memref_slice %arg6[%dma_wait3A_396, %dma_wait3A_397, %dma_wait3A_398] : memref<4x400x64xf32, #tpu.memory_space<vmem>> -> memref<1x400x64xf32, #tpu.memory_space<vmem>>
    %dma_wait3A_400 = tpu.memref_squeeze %dma_wait3A_399 : memref<1x400x64xf32, #tpu.memory_space<vmem>> -> memref<400x64xf32, #tpu.memory_space<vmem>>
    %dma_wait3A_401 = arith.constant 0 : i32
    %dma_wait3A_402 = tpu.memref_slice %arg5[%dma_wait3A_395, %dma_wait3A_401] : memref<4x400xi32, #tpu.memory_space<vmem>> -> memref<1x400xi32, #tpu.memory_space<vmem>>
    %dma_wait3A_403 = tpu.memref_squeeze %dma_wait3A_402 : memref<1x400xi32, #tpu.memory_space<vmem>> -> memref<400xi32, #tpu.memory_space<vmem>>
    %dma_wait3A_404 = arith.constant 0 : i32
    %dma_wait3A_405 = arith.constant 0 : i32
    %dma_wait3A_406 = tpu.memref_slice %arg3[%dma_wait3A_404, %dma_wait3A_405] : memref<1000000x64xf32, #tpu.memory_space<hbm>> -> memref<1000000x64xf32, #tpu.memory_space<hbm>>
    tpu.wait_indirect_dma semaphore(%arg14 : memref<!tpu.dma_semaphore, #tpu.memory_space<semaphore_mem>>) src(%dma_wait3A_406 : memref<1000000x64xf32, #tpu.memory_space<hbm>>) dst(%dma_wait3A_400 : memref<400x64xf32, #tpu.memory_space<vmem>>)
    %add3A_407 = arith.constant 102000 : i32
    %add3A_408 = arith.addi %mul3A_2, %add3A_407 : i32
    %jit3A_409 = arith.constant 200 : i32
    %div3A_410 = arith.divsi %add3A_408, %jit3A_409 : i32
    %sign3A_411 = arith.constant 0 : i32
    %sign3A_412 = arith.cmpi sgt, %add3A_408, %sign3A_411 : i32
    %sign3A_413 = arith.extui %sign3A_412 : i1 to i32
    %sign3A_414 = arith.constant 0 : i32
    %sign3A_415 = arith.cmpi slt, %add3A_408, %sign3A_414 : i32
    %sign3A_416 = arith.extui %sign3A_415 : i1 to i32
    %sign3A_417 = arith.subi %sign3A_413, %sign3A_416 : i32
    %sign3A_418 = arith.constant 0 : i32
    %sign3A_419 = arith.cmpi sgt, %jit3A_409, %sign3A_418 : i32
    %sign3A_420 = arith.extui %sign3A_419 : i1 to i32
    %sign3A_421 = arith.constant 0 : i32
    %sign3A_422 = arith.cmpi slt, %jit3A_409, %sign3A_421 : i32
    %sign3A_423 = arith.extui %sign3A_422 : i1 to i32
    %sign3A_424 = arith.subi %sign3A_420, %sign3A_423 : i32
    %ne3A_425 = arith.cmpi ne, %sign3A_417, %sign3A_424 : i32
    %rem3A_426 = arith.remsi %add3A_408, %jit3A_409 : i32
    %ne3A_427 = arith.constant 0 : i32
    %ne3A_428 = arith.cmpi ne, %rem3A_426, %ne3A_427 : i32
    %and3A_429 = arith.andi %ne3A_425, %ne3A_428 : i1
    %sub3A_430 = arith.constant 1 : i32
    %sub3A_431 = arith.subi %div3A_410, %sub3A_430 : i32
    %select_n3A_432 = arith.select %and3A_429, %sub3A_431, %div3A_410 : i32
    %add3A_433 = arith.constant 0 : i32
    %add3A_434 = arith.addi %select_n3A_432, %add3A_433 : i32
    %add3A_435 = arith.constant 1 : i32
    %add3A_436 = arith.addi %select_n3A_432, %add3A_435 : i32
    %dma_start3A_437 = arith.constant 3 : i32
    %dma_start3A_438 = arith.constant 0 : i32
    %dma_start3A_439 = arith.constant 0 : i32
    %dma_start3A_440 = tpu.memref_slice %arg6[%dma_start3A_437, %dma_start3A_438, %dma_start3A_439] : memref<4x400x64xf32, #tpu.memory_space<vmem>> -> memref<1x200x64xf32, #tpu.memory_space<vmem>>
    %dma_start3A_441 = tpu.memref_squeeze %dma_start3A_440 : memref<1x200x64xf32, #tpu.memory_space<vmem>> -> memref<200x64xf32, #tpu.memory_space<vmem>>
    %dma_start3A_442 = arith.constant 0 : i32
    %dma_start3A_443 = arith.constant 0 : i32
    %dma_start3A_444 = tpu.memref_slice %arg4[%add3A_434, %dma_start3A_442, %dma_start3A_443] : memref<16384x200x128xf32, #tpu.memory_space<hbm>> -> memref<1x200x64xf32, #tpu.memory_space<hbm>>
    %dma_start3A_445 = tpu.memref_squeeze %dma_start3A_444 : memref<1x200x64xf32, #tpu.memory_space<hbm>> -> memref<200x64xf32, #tpu.memory_space<hbm>>
    %dma_start3A_446 = arith.constant 0 : i32
    %dma_start3A_447 = arith.constant 0 : i32
    %dma_start3A_448 = tpu.memref_slice %arg4[%add3A_434, %dma_start3A_446, %dma_start3A_447] : memref<16384x200x128xf32, #tpu.memory_space<hbm>> -> memref<1x200x64xf32, #tpu.memory_space<hbm>>
    %dma_start3A_449 = tpu.memref_squeeze %dma_start3A_448 : memref<1x200x64xf32, #tpu.memory_space<hbm>> -> memref<200x64xf32, #tpu.memory_space<hbm>>
    %dma_start3A_450 = arith.constant 0 : i32
    %dma_start3A_451 = arith.constant 0 : i32
    %dma_start3A_452 = tpu.memref_slice %arg6[%dma_start3A_437, %dma_start3A_450, %dma_start3A_451] : memref<4x400x64xf32, #tpu.memory_space<vmem>> -> memref<1x200x64xf32, #tpu.memory_space<vmem>>
    %dma_start3A_453 = tpu.memref_squeeze %dma_start3A_452 : memref<1x200x64xf32, #tpu.memory_space<vmem>> -> memref<200x64xf32, #tpu.memory_space<vmem>>
    tpu.enqueue_dma source(%dma_start3A_453 : memref<200x64xf32, #tpu.memory_space<vmem>>) target(%dma_start3A_449 : memref<200x64xf32, #tpu.memory_space<hbm>>) target_semaphore(%arg18 : memref<!tpu.dma_semaphore, #tpu.memory_space<semaphore_mem>>)
    %dma_start3A_454 = arith.constant 3 : i32
    %dma_start3A_455 = arith.constant 200 : i32
    %dma_start3A_456 = arith.constant 0 : i32
    %dma_start3A_457 = tpu.memref_slice %arg6[%dma_start3A_454, %dma_start3A_455, %dma_start3A_456] : memref<4x400x64xf32, #tpu.memory_space<vmem>> -> memref<1x200x64xf32, #tpu.memory_space<vmem>>
    %dma_start3A_458 = tpu.memref_squeeze %dma_start3A_457 : memref<1x200x64xf32, #tpu.memory_space<vmem>> -> memref<200x64xf32, #tpu.memory_space<vmem>>
    %dma_start3A_459 = arith.constant 0 : i32
    %dma_start3A_460 = arith.constant 0 : i32
    %dma_start3A_461 = tpu.memref_slice %arg4[%add3A_436, %dma_start3A_459, %dma_start3A_460] : memref<16384x200x128xf32, #tpu.memory_space<hbm>> -> memref<1x200x64xf32, #tpu.memory_space<hbm>>
    %dma_start3A_462 = tpu.memref_squeeze %dma_start3A_461 : memref<1x200x64xf32, #tpu.memory_space<hbm>> -> memref<200x64xf32, #tpu.memory_space<hbm>>
    %dma_start3A_463 = arith.constant 0 : i32
    %dma_start3A_464 = arith.constant 0 : i32
    %dma_start3A_465 = tpu.memref_slice %arg4[%add3A_436, %dma_start3A_463, %dma_start3A_464] : memref<16384x200x128xf32, #tpu.memory_space<hbm>> -> memref<1x200x64xf32, #tpu.memory_space<hbm>>
    %dma_start3A_466 = tpu.memref_squeeze %dma_start3A_465 : memref<1x200x64xf32, #tpu.memory_space<hbm>> -> memref<200x64xf32, #tpu.memory_space<hbm>>
    %dma_start3A_467 = arith.constant 200 : i32
    %dma_start3A_468 = arith.constant 0 : i32
    %dma_start3A_469 = tpu.memref_slice %arg6[%dma_start3A_454, %dma_start3A_467, %dma_start3A_468] : memref<4x400x64xf32, #tpu.memory_space<vmem>> -> memref<1x200x64xf32, #tpu.memory_space<vmem>>
    %dma_start3A_470 = tpu.memref_squeeze %dma_start3A_469 : memref<1x200x64xf32, #tpu.memory_space<vmem>> -> memref<200x64xf32, #tpu.memory_space<vmem>>
    tpu.enqueue_dma source(%dma_start3A_470 : memref<200x64xf32, #tpu.memory_space<vmem>>) target(%dma_start3A_466 : memref<200x64xf32, #tpu.memory_space<hbm>>) target_semaphore(%arg18 : memref<!tpu.dma_semaphore, #tpu.memory_space<semaphore_mem>>)
    %add3A_471 = arith.constant 100800 : i32
    %add3A_472 = arith.addi %mul3A_2, %add3A_471 : i32
    %jit3A_473 = arith.constant 200 : i32
    %div3A_474 = arith.divsi %add3A_472, %jit3A_473 : i32
    %sign3A_475 = arith.constant 0 : i32
    %sign3A_476 = arith.cmpi sgt, %add3A_472, %sign3A_475 : i32
    %sign3A_477 = arith.extui %sign3A_476 : i1 to i32
    %sign3A_478 = arith.constant 0 : i32
    %sign3A_479 = arith.cmpi slt, %add3A_472, %sign3A_478 : i32
    %sign3A_480 = arith.extui %sign3A_479 : i1 to i32
    %sign3A_481 = arith.subi %sign3A_477, %sign3A_480 : i32
    %sign3A_482 = arith.constant 0 : i32
    %sign3A_483 = arith.cmpi sgt, %jit3A_473, %sign3A_482 : i32
    %sign3A_484 = arith.extui %sign3A_483 : i1 to i32
    %sign3A_485 = arith.constant 0 : i32
    %sign3A_486 = arith.cmpi slt, %jit3A_473, %sign3A_485 : i32
    %sign3A_487 = arith.extui %sign3A_486 : i1 to i32
    %sign3A_488 = arith.subi %sign3A_484, %sign3A_487 : i32
    %ne3A_489 = arith.cmpi ne, %sign3A_481, %sign3A_488 : i32
    %rem3A_490 = arith.remsi %add3A_472, %jit3A_473 : i32
    %ne3A_491 = arith.constant 0 : i32
    %ne3A_492 = arith.cmpi ne, %rem3A_490, %ne3A_491 : i32
    %and3A_493 = arith.andi %ne3A_489, %ne3A_492 : i1
    %sub3A_494 = arith.constant 1 : i32
    %sub3A_495 = arith.subi %div3A_474, %sub3A_494 : i32
    %select_n3A_496 = arith.select %and3A_493, %sub3A_495, %div3A_474 : i32
    %add3A_497 = arith.constant 0 : i32
    %add3A_498 = arith.addi %select_n3A_496, %add3A_497 : i32
    %add3A_499 = arith.constant 1 : i32
    %add3A_500 = arith.addi %select_n3A_496, %add3A_499 : i32
    %dma_wait3A_501 = arith.constant 0 : i32
    %dma_wait3A_502 = arith.constant 0 : i32
    %dma_wait3A_503 = arith.constant 0 : i32
    %dma_wait3A_504 = tpu.memref_slice %arg6[%dma_wait3A_501, %dma_wait3A_502, %dma_wait3A_503] : memref<4x400x64xf32, #tpu.memory_space<vmem>> -> memref<1x200x64xf32, #tpu.memory_space<vmem>>
    %dma_wait3A_505 = tpu.memref_squeeze %dma_wait3A_504 : memref<1x200x64xf32, #tpu.memory_space<vmem>> -> memref<200x64xf32, #tpu.memory_space<vmem>>
    %dma_wait3A_506 = arith.constant 0 : i32
    %dma_wait3A_507 = arith.constant 0 : i32
    %dma_wait3A_508 = tpu.memref_slice %arg4[%add3A_498, %dma_wait3A_506, %dma_wait3A_507] : memref<16384x200x128xf32, #tpu.memory_space<hbm>> -> memref<1x200x64xf32, #tpu.memory_space<hbm>>
    %dma_wait3A_509 = tpu.memref_squeeze %dma_wait3A_508 : memref<1x200x64xf32, #tpu.memory_space<hbm>> -> memref<200x64xf32, #tpu.memory_space<hbm>>
    %dma_wait3A_510 = arith.constant 0 : i32
    %dma_wait3A_511 = arith.constant 0 : i32
    %dma_wait3A_512 = tpu.memref_slice %arg4[%add3A_498, %dma_wait3A_510, %dma_wait3A_511] : memref<16384x200x128xf32, #tpu.memory_space<hbm>> -> memref<1x200x64xf32, #tpu.memory_space<hbm>>
    %dma_wait3A_513 = tpu.memref_squeeze %dma_wait3A_512 : memref<1x200x64xf32, #tpu.memory_space<hbm>> -> memref<200x64xf32, #tpu.memory_space<hbm>>
    %dma_wait3A_514 = arith.constant 0 : i32
    %dma_wait3A_515 = arith.constant 0 : i32
    %dma_wait3A_516 = tpu.memref_slice %arg6[%dma_wait3A_501, %dma_wait3A_514, %dma_wait3A_515] : memref<4x400x64xf32, #tpu.memory_space<vmem>> -> memref<1x200x64xf32, #tpu.memory_space<vmem>>
    %dma_wait3A_517 = tpu.memref_squeeze %dma_wait3A_516 : memref<1x200x64xf32, #tpu.memory_space<vmem>> -> memref<200x64xf32, #tpu.memory_space<vmem>>
    tpu.wait_dma2 semaphore(%arg15 : memref<!tpu.dma_semaphore, #tpu.memory_space<semaphore_mem>>) src(%dma_wait3A_517 : memref<200x64xf32, #tpu.memory_space<vmem>>) dst(%dma_wait3A_513 : memref<200x64xf32, #tpu.memory_space<hbm>>)
    %dma_wait3A_518 = arith.constant 0 : i32
    %dma_wait3A_519 = arith.constant 200 : i32
    %dma_wait3A_520 = arith.constant 0 : i32
    %dma_wait3A_521 = tpu.memref_slice %arg6[%dma_wait3A_518, %dma_wait3A_519, %dma_wait3A_520] : memref<4x400x64xf32, #tpu.memory_space<vmem>> -> memref<1x200x64xf32, #tpu.memory_space<vmem>>
    %dma_wait3A_522 = tpu.memref_squeeze %dma_wait3A_521 : memref<1x200x64xf32, #tpu.memory_space<vmem>> -> memref<200x64xf32, #tpu.memory_space<vmem>>
    %dma_wait3A_523 = arith.constant 0 : i32
    %dma_wait3A_524 = arith.constant 0 : i32
    %dma_wait3A_525 = tpu.memref_slice %arg4[%add3A_500, %dma_wait3A_523, %dma_wait3A_524] : memref<16384x200x128xf32, #tpu.memory_space<hbm>> -> memref<1x200x64xf32, #tpu.memory_space<hbm>>
    %dma_wait3A_526 = tpu.memref_squeeze %dma_wait3A_525 : memref<1x200x64xf32, #tpu.memory_space<hbm>> -> memref<200x64xf32, #tpu.memory_space<hbm>>
    %dma_wait3A_527 = arith.constant 0 : i32
    %dma_wait3A_528 = arith.constant 0 : i32
    %dma_wait3A_529 = tpu.memref_slice %arg4[%add3A_500, %dma_wait3A_527, %dma_wait3A_528] : memref<16384x200x128xf32, #tpu.memory_space<hbm>> -> memref<1x200x64xf32, #tpu.memory_space<hbm>>
    %dma_wait3A_530 = tpu.memref_squeeze %dma_wait3A_529 : memref<1x200x64xf32, #tpu.memory_space<hbm>> -> memref<200x64xf32, #tpu.memory_space<hbm>>
    %dma_wait3A_531 = arith.constant 200 : i32
    %dma_wait3A_532 = arith.constant 0 : i32
    %dma_wait3A_533 = tpu.memref_slice %arg6[%dma_wait3A_518, %dma_wait3A_531, %dma_wait3A_532] : memref<4x400x64xf32, #tpu.memory_space<vmem>> -> memref<1x200x64xf32, #tpu.memory_space<vmem>>
    %dma_wait3A_534 = tpu.memref_squeeze %dma_wait3A_533 : memref<1x200x64xf32, #tpu.memory_space<vmem>> -> memref<200x64xf32, #tpu.memory_space<vmem>>
    tpu.wait_dma2 semaphore(%arg15 : memref<!tpu.dma_semaphore, #tpu.memory_space<semaphore_mem>>) src(%dma_wait3A_534 : memref<200x64xf32, #tpu.memory_space<vmem>>) dst(%dma_wait3A_530 : memref<200x64xf32, #tpu.memory_space<hbm>>)
    %add3A_535 = arith.constant 101200 : i32
    %add3A_536 = arith.addi %mul3A_2, %add3A_535 : i32
    %jit3A_537 = arith.constant 200 : i32
    %div3A_538 = arith.divsi %add3A_536, %jit3A_537 : i32
    %sign3A_539 = arith.constant 0 : i32
    %sign3A_540 = arith.cmpi sgt, %add3A_536, %sign3A_539 : i32
    %sign3A_541 = arith.extui %sign3A_540 : i1 to i32
    %sign3A_542 = arith.constant 0 : i32
    %sign3A_543 = arith.cmpi slt, %add3A_536, %sign3A_542 : i32
    %sign3A_544 = arith.extui %sign3A_543 : i1 to i32
    %sign3A_545 = arith.subi %sign3A_541, %sign3A_544 : i32
    %sign3A_546 = arith.constant 0 : i32
    %sign3A_547 = arith.cmpi sgt, %jit3A_537, %sign3A_546 : i32
    %sign3A_548 = arith.extui %sign3A_547 : i1 to i32
    %sign3A_549 = arith.constant 0 : i32
    %sign3A_550 = arith.cmpi slt, %jit3A_537, %sign3A_549 : i32
    %sign3A_551 = arith.extui %sign3A_550 : i1 to i32
    %sign3A_552 = arith.subi %sign3A_548, %sign3A_551 : i32
    %ne3A_553 = arith.cmpi ne, %sign3A_545, %sign3A_552 : i32
    %rem3A_554 = arith.remsi %add3A_536, %jit3A_537 : i32
    %ne3A_555 = arith.constant 0 : i32
    %ne3A_556 = arith.cmpi ne, %rem3A_554, %ne3A_555 : i32
    %and3A_557 = arith.andi %ne3A_553, %ne3A_556 : i1
    %sub3A_558 = arith.constant 1 : i32
    %sub3A_559 = arith.subi %div3A_538, %sub3A_558 : i32
    %select_n3A_560 = arith.select %and3A_557, %sub3A_559, %div3A_538 : i32
    %add3A_561 = arith.constant 0 : i32
    %add3A_562 = arith.addi %select_n3A_560, %add3A_561 : i32
    %add3A_563 = arith.constant 1 : i32
    %add3A_564 = arith.addi %select_n3A_560, %add3A_563 : i32
    %dma_wait3A_565 = arith.constant 1 : i32
    %dma_wait3A_566 = arith.constant 0 : i32
    %dma_wait3A_567 = arith.constant 0 : i32
    %dma_wait3A_568 = tpu.memref_slice %arg6[%dma_wait3A_565, %dma_wait3A_566, %dma_wait3A_567] : memref<4x400x64xf32, #tpu.memory_space<vmem>> -> memref<1x200x64xf32, #tpu.memory_space<vmem>>
    %dma_wait3A_569 = tpu.memref_squeeze %dma_wait3A_568 : memref<1x200x64xf32, #tpu.memory_space<vmem>> -> memref<200x64xf32, #tpu.memory_space<vmem>>
    %dma_wait3A_570 = arith.constant 0 : i32
    %dma_wait3A_571 = arith.constant 0 : i32
    %dma_wait3A_572 = tpu.memref_slice %arg4[%add3A_562, %dma_wait3A_570, %dma_wait3A_571] : memref<16384x200x128xf32, #tpu.memory_space<hbm>> -> memref<1x200x64xf32, #tpu.memory_space<hbm>>
    %dma_wait3A_573 = tpu.memref_squeeze %dma_wait3A_572 : memref<1x200x64xf32, #tpu.memory_space<hbm>> -> memref<200x64xf32, #tpu.memory_space<hbm>>
    %dma_wait3A_574 = arith.constant 0 : i32
    %dma_wait3A_575 = arith.constant 0 : i32
    %dma_wait3A_576 = tpu.memref_slice %arg4[%add3A_562, %dma_wait3A_574, %dma_wait3A_575] : memref<16384x200x128xf32, #tpu.memory_space<hbm>> -> memref<1x200x64xf32, #tpu.memory_space<hbm>>
    %dma_wait3A_577 = tpu.memref_squeeze %dma_wait3A_576 : memref<1x200x64xf32, #tpu.memory_space<hbm>> -> memref<200x64xf32, #tpu.memory_space<hbm>>
    %dma_wait3A_578 = arith.constant 0 : i32
    %dma_wait3A_579 = arith.constant 0 : i32
    %dma_wait3A_580 = tpu.memref_slice %arg6[%dma_wait3A_565, %dma_wait3A_578, %dma_wait3A_579] : memref<4x400x64xf32, #tpu.memory_space<vmem>> -> memref<1x200x64xf32, #tpu.memory_space<vmem>>
    %dma_wait3A_581 = tpu.memref_squeeze %dma_wait3A_580 : memref<1x200x64xf32, #tpu.memory_space<vmem>> -> memref<200x64xf32, #tpu.memory_space<vmem>>
    tpu.wait_dma2 semaphore(%arg16 : memref<!tpu.dma_semaphore, #tpu.memory_space<semaphore_mem>>) src(%dma_wait3A_581 : memref<200x64xf32, #tpu.memory_space<vmem>>) dst(%dma_wait3A_577 : memref<200x64xf32, #tpu.memory_space<hbm>>)
    %dma_wait3A_582 = arith.constant 1 : i32
    %dma_wait3A_583 = arith.constant 200 : i32
    %dma_wait3A_584 = arith.constant 0 : i32
    %dma_wait3A_585 = tpu.memref_slice %arg6[%dma_wait3A_582, %dma_wait3A_583, %dma_wait3A_584] : memref<4x400x64xf32, #tpu.memory_space<vmem>> -> memref<1x200x64xf32, #tpu.memory_space<vmem>>
    %dma_wait3A_586 = tpu.memref_squeeze %dma_wait3A_585 : memref<1x200x64xf32, #tpu.memory_space<vmem>> -> memref<200x64xf32, #tpu.memory_space<vmem>>
    %dma_wait3A_587 = arith.constant 0 : i32
    %dma_wait3A_588 = arith.constant 0 : i32
    %dma_wait3A_589 = tpu.memref_slice %arg4[%add3A_564, %dma_wait3A_587, %dma_wait3A_588] : memref<16384x200x128xf32, #tpu.memory_space<hbm>> -> memref<1x200x64xf32, #tpu.memory_space<hbm>>
    %dma_wait3A_590 = tpu.memref_squeeze %dma_wait3A_589 : memref<1x200x64xf32, #tpu.memory_space<hbm>> -> memref<200x64xf32, #tpu.memory_space<hbm>>
    %dma_wait3A_591 = arith.constant 0 : i32
    %dma_wait3A_592 = arith.constant 0 : i32
    %dma_wait3A_593 = tpu.memref_slice %arg4[%add3A_564, %dma_wait3A_591, %dma_wait3A_592] : memref<16384x200x128xf32, #tpu.memory_space<hbm>> -> memref<1x200x64xf32, #tpu.memory_space<hbm>>
    %dma_wait3A_594 = tpu.memref_squeeze %dma_wait3A_593 : memref<1x200x64xf32, #tpu.memory_space<hbm>> -> memref<200x64xf32, #tpu.memory_space<hbm>>
    %dma_wait3A_595 = arith.constant 200 : i32
    %dma_wait3A_596 = arith.constant 0 : i32
    %dma_wait3A_597 = tpu.memref_slice %arg6[%dma_wait3A_582, %dma_wait3A_595, %dma_wait3A_596] : memref<4x400x64xf32, #tpu.memory_space<vmem>> -> memref<1x200x64xf32, #tpu.memory_space<vmem>>
    %dma_wait3A_598 = tpu.memref_squeeze %dma_wait3A_597 : memref<1x200x64xf32, #tpu.memory_space<vmem>> -> memref<200x64xf32, #tpu.memory_space<vmem>>
    tpu.wait_dma2 semaphore(%arg16 : memref<!tpu.dma_semaphore, #tpu.memory_space<semaphore_mem>>) src(%dma_wait3A_598 : memref<200x64xf32, #tpu.memory_space<vmem>>) dst(%dma_wait3A_594 : memref<200x64xf32, #tpu.memory_space<hbm>>)
    %add3A_599 = arith.constant 101600 : i32
    %add3A_600 = arith.addi %mul3A_2, %add3A_599 : i32
    %jit3A_601 = arith.constant 200 : i32
    %div3A_602 = arith.divsi %add3A_600, %jit3A_601 : i32
    %sign3A_603 = arith.constant 0 : i32
    %sign3A_604 = arith.cmpi sgt, %add3A_600, %sign3A_603 : i32
    %sign3A_605 = arith.extui %sign3A_604 : i1 to i32
    %sign3A_606 = arith.constant 0 : i32
    %sign3A_607 = arith.cmpi slt, %add3A_600, %sign3A_606 : i32
    %sign3A_608 = arith.extui %sign3A_607 : i1 to i32
    %sign3A_609 = arith.subi %sign3A_605, %sign3A_608 : i32
    %sign3A_610 = arith.constant 0 : i32
    %sign3A_611 = arith.cmpi sgt, %jit3A_601, %sign3A_610 : i32
    %sign3A_612 = arith.extui %sign3A_611 : i1 to i32
    %sign3A_613 = arith.constant 0 : i32
    %sign3A_614 = arith.cmpi slt, %jit3A_601, %sign3A_613 : i32
    %sign3A_615 = arith.extui %sign3A_614 : i1 to i32
    %sign3A_616 = arith.subi %sign3A_612, %sign3A_615 : i32
    %ne3A_617 = arith.cmpi ne, %sign3A_609, %sign3A_616 : i32
    %rem3A_618 = arith.remsi %add3A_600, %jit3A_601 : i32
    %ne3A_619 = arith.constant 0 : i32
    %ne3A_620 = arith.cmpi ne, %rem3A_618, %ne3A_619 : i32
    %and3A_621 = arith.andi %ne3A_617, %ne3A_620 : i1
    %sub3A_622 = arith.constant 1 : i32
    %sub3A_623 = arith.subi %div3A_602, %sub3A_622 : i32
    %select_n3A_624 = arith.select %and3A_621, %sub3A_623, %div3A_602 : i32
    %add3A_625 = arith.constant 0 : i32
    %add3A_626 = arith.addi %select_n3A_624, %add3A_625 : i32
    %add3A_627 = arith.constant 1 : i32
    %add3A_628 = arith.addi %select_n3A_624, %add3A_627 : i32
    %dma_wait3A_629 = arith.constant 2 : i32
    %dma_wait3A_630 = arith.constant 0 : i32
    %dma_wait3A_631 = arith.constant 0 : i32
    %dma_wait3A_632 = tpu.memref_slice %arg6[%dma_wait3A_629, %dma_wait3A_630, %dma_wait3A_631] : memref<4x400x64xf32, #tpu.memory_space<vmem>> -> memref<1x200x64xf32, #tpu.memory_space<vmem>>
    %dma_wait3A_633 = tpu.memref_squeeze %dma_wait3A_632 : memref<1x200x64xf32, #tpu.memory_space<vmem>> -> memref<200x64xf32, #tpu.memory_space<vmem>>
    %dma_wait3A_634 = arith.constant 0 : i32
    %dma_wait3A_635 = arith.constant 0 : i32
    %dma_wait3A_636 = tpu.memref_slice %arg4[%add3A_626, %dma_wait3A_634, %dma_wait3A_635] : memref<16384x200x128xf32, #tpu.memory_space<hbm>> -> memref<1x200x64xf32, #tpu.memory_space<hbm>>
    %dma_wait3A_637 = tpu.memref_squeeze %dma_wait3A_636 : memref<1x200x64xf32, #tpu.memory_space<hbm>> -> memref<200x64xf32, #tpu.memory_space<hbm>>
    %dma_wait3A_638 = arith.constant 0 : i32
    %dma_wait3A_639 = arith.constant 0 : i32
    %dma_wait3A_640 = tpu.memref_slice %arg4[%add3A_626, %dma_wait3A_638, %dma_wait3A_639] : memref<16384x200x128xf32, #tpu.memory_space<hbm>> -> memref<1x200x64xf32, #tpu.memory_space<hbm>>
    %dma_wait3A_641 = tpu.memref_squeeze %dma_wait3A_640 : memref<1x200x64xf32, #tpu.memory_space<hbm>> -> memref<200x64xf32, #tpu.memory_space<hbm>>
    %dma_wait3A_642 = arith.constant 0 : i32
    %dma_wait3A_643 = arith.constant 0 : i32
    %dma_wait3A_644 = tpu.memref_slice %arg6[%dma_wait3A_629, %dma_wait3A_642, %dma_wait3A_643] : memref<4x400x64xf32, #tpu.memory_space<vmem>> -> memref<1x200x64xf32, #tpu.memory_space<vmem>>
    %dma_wait3A_645 = tpu.memref_squeeze %dma_wait3A_644 : memref<1x200x64xf32, #tpu.memory_space<vmem>> -> memref<200x64xf32, #tpu.memory_space<vmem>>
    tpu.wait_dma2 semaphore(%arg17 : memref<!tpu.dma_semaphore, #tpu.memory_space<semaphore_mem>>) src(%dma_wait3A_645 : memref<200x64xf32, #tpu.memory_space<vmem>>) dst(%dma_wait3A_641 : memref<200x64xf32, #tpu.memory_space<hbm>>)
    %dma_wait3A_646 = arith.constant 2 : i32
    %dma_wait3A_647 = arith.constant 200 : i32
    %dma_wait3A_648 = arith.constant 0 : i32
    %dma_wait3A_649 = tpu.memref_slice %arg6[%dma_wait3A_646, %dma_wait3A_647, %dma_wait3A_648] : memref<4x400x64xf32, #tpu.memory_space<vmem>> -> memref<1x200x64xf32, #tpu.memory_space<vmem>>
    %dma_wait3A_650 = tpu.memref_squeeze %dma_wait3A_649 : memref<1x200x64xf32, #tpu.memory_space<vmem>> -> memref<200x64xf32, #tpu.memory_space<vmem>>
    %dma_wait3A_651 = arith.constant 0 : i32
    %dma_wait3A_652 = arith.constant 0 : i32
    %dma_wait3A_653 = tpu.memref_slice %arg4[%add3A_628, %dma_wait3A_651, %dma_wait3A_652] : memref<16384x200x128xf32, #tpu.memory_space<hbm>> -> memref<1x200x64xf32, #tpu.memory_space<hbm>>
    %dma_wait3A_654 = tpu.memref_squeeze %dma_wait3A_653 : memref<1x200x64xf32, #tpu.memory_space<hbm>> -> memref<200x64xf32, #tpu.memory_space<hbm>>
    %dma_wait3A_655 = arith.constant 0 : i32
    %dma_wait3A_656 = arith.constant 0 : i32
    %dma_wait3A_657 = tpu.memref_slice %arg4[%add3A_628, %dma_wait3A_655, %dma_wait3A_656] : memref<16384x200x128xf32, #tpu.memory_space<hbm>> -> memref<1x200x64xf32, #tpu.memory_space<hbm>>
    %dma_wait3A_658 = tpu.memref_squeeze %dma_wait3A_657 : memref<1x200x64xf32, #tpu.memory_space<hbm>> -> memref<200x64xf32, #tpu.memory_space<hbm>>
    %dma_wait3A_659 = arith.constant 200 : i32
    %dma_wait3A_660 = arith.constant 0 : i32
    %dma_wait3A_661 = tpu.memref_slice %arg6[%dma_wait3A_646, %dma_wait3A_659, %dma_wait3A_660] : memref<4x400x64xf32, #tpu.memory_space<vmem>> -> memref<1x200x64xf32, #tpu.memory_space<vmem>>
    %dma_wait3A_662 = tpu.memref_squeeze %dma_wait3A_661 : memref<1x200x64xf32, #tpu.memory_space<vmem>> -> memref<200x64xf32, #tpu.memory_space<vmem>>
    tpu.wait_dma2 semaphore(%arg17 : memref<!tpu.dma_semaphore, #tpu.memory_space<semaphore_mem>>) src(%dma_wait3A_662 : memref<200x64xf32, #tpu.memory_space<vmem>>) dst(%dma_wait3A_658 : memref<200x64xf32, #tpu.memory_space<hbm>>)
    %add3A_663 = arith.constant 102000 : i32
    %add3A_664 = arith.addi %mul3A_2, %add3A_663 : i32
    %jit3A_665 = arith.constant 200 : i32
    %div3A_666 = arith.divsi %add3A_664, %jit3A_665 : i32
    %sign3A_667 = arith.constant 0 : i32
    %sign3A_668 = arith.cmpi sgt, %add3A_664, %sign3A_667 : i32
    %sign3A_669 = arith.extui %sign3A_668 : i1 to i32
    %sign3A_670 = arith.constant 0 : i32
    %sign3A_671 = arith.cmpi slt, %add3A_664, %sign3A_670 : i32
    %sign3A_672 = arith.extui %sign3A_671 : i1 to i32
    %sign3A_673 = arith.subi %sign3A_669, %sign3A_672 : i32
    %sign3A_674 = arith.constant 0 : i32
    %sign3A_675 = arith.cmpi sgt, %jit3A_665, %sign3A_674 : i32
    %sign3A_676 = arith.extui %sign3A_675 : i1 to i32
    %sign3A_677 = arith.constant 0 : i32
    %sign3A_678 = arith.cmpi slt, %jit3A_665, %sign3A_677 : i32
    %sign3A_679 = arith.extui %sign3A_678 : i1 to i32
    %sign3A_680 = arith.subi %sign3A_676, %sign3A_679 : i32
    %ne3A_681 = arith.cmpi ne, %sign3A_673, %sign3A_680 : i32
    %rem3A_682 = arith.remsi %add3A_664, %jit3A_665 : i32
    %ne3A_683 = arith.constant 0 : i32
    %ne3A_684 = arith.cmpi ne, %rem3A_682, %ne3A_683 : i32
    %and3A_685 = arith.andi %ne3A_681, %ne3A_684 : i1
    %sub3A_686 = arith.constant 1 : i32
    %sub3A_687 = arith.subi %div3A_666, %sub3A_686 : i32
    %select_n3A_688 = arith.select %and3A_685, %sub3A_687, %div3A_666 : i32
    %add3A_689 = arith.constant 0 : i32
    %add3A_690 = arith.addi %select_n3A_688, %add3A_689 : i32
    %add3A_691 = arith.constant 1 : i32
    %add3A_692 = arith.addi %select_n3A_688, %add3A_691 : i32
    %dma_wait3A_693 = arith.constant 3 : i32
    %dma_wait3A_694 = arith.constant 0 : i32
    %dma_wait3A_695 = arith.constant 0 : i32
    %dma_wait3A_696 = tpu.memref_slice %arg6[%dma_wait3A_693, %dma_wait3A_694, %dma_wait3A_695] : memref<4x400x64xf32, #tpu.memory_space<vmem>> -> memref<1x200x64xf32, #tpu.memory_space<vmem>>
    %dma_wait3A_697 = tpu.memref_squeeze %dma_wait3A_696 : memref<1x200x64xf32, #tpu.memory_space<vmem>> -> memref<200x64xf32, #tpu.memory_space<vmem>>
    %dma_wait3A_698 = arith.constant 0 : i32
    %dma_wait3A_699 = arith.constant 0 : i32
    %dma_wait3A_700 = tpu.memref_slice %arg4[%add3A_690, %dma_wait3A_698, %dma_wait3A_699] : memref<16384x200x128xf32, #tpu.memory_space<hbm>> -> memref<1x200x64xf32, #tpu.memory_space<hbm>>
    %dma_wait3A_701 = tpu.memref_squeeze %dma_wait3A_700 : memref<1x200x64xf32, #tpu.memory_space<hbm>> -> memref<200x64xf32, #tpu.memory_space<hbm>>
    %dma_wait3A_702 = arith.constant 0 : i32
    %dma_wait3A_703 = arith.constant 0 : i32
    %dma_wait3A_704 = tpu.memref_slice %arg4[%add3A_690, %dma_wait3A_702, %dma_wait3A_703] : memref<16384x200x128xf32, #tpu.memory_space<hbm>> -> memref<1x200x64xf32, #tpu.memory_space<hbm>>
    %dma_wait3A_705 = tpu.memref_squeeze %dma_wait3A_704 : memref<1x200x64xf32, #tpu.memory_space<hbm>> -> memref<200x64xf32, #tpu.memory_space<hbm>>
    %dma_wait3A_706 = arith.constant 0 : i32
    %dma_wait3A_707 = arith.constant 0 : i32
    %dma_wait3A_708 = tpu.memref_slice %arg6[%dma_wait3A_693, %dma_wait3A_706, %dma_wait3A_707] : memref<4x400x64xf32, #tpu.memory_space<vmem>> -> memref<1x200x64xf32, #tpu.memory_space<vmem>>
    %dma_wait3A_709 = tpu.memref_squeeze %dma_wait3A_708 : memref<1x200x64xf32, #tpu.memory_space<vmem>> -> memref<200x64xf32, #tpu.memory_space<vmem>>
    tpu.wait_dma2 semaphore(%arg18 : memref<!tpu.dma_semaphore, #tpu.memory_space<semaphore_mem>>) src(%dma_wait3A_709 : memref<200x64xf32, #tpu.memory_space<vmem>>) dst(%dma_wait3A_705 : memref<200x64xf32, #tpu.memory_space<hbm>>)
    %dma_wait3A_710 = arith.constant 3 : i32
    %dma_wait3A_711 = arith.constant 200 : i32
    %dma_wait3A_712 = arith.constant 0 : i32
    %dma_wait3A_713 = tpu.memref_slice %arg6[%dma_wait3A_710, %dma_wait3A_711, %dma_wait3A_712] : memref<4x400x64xf32, #tpu.memory_space<vmem>> -> memref<1x200x64xf32, #tpu.memory_space<vmem>>
    %dma_wait3A_714 = tpu.memref_squeeze %dma_wait3A_713 : memref<1x200x64xf32, #tpu.memory_space<vmem>> -> memref<200x64xf32, #tpu.memory_space<vmem>>
    %dma_wait3A_715 = arith.constant 0 : i32
    %dma_wait3A_716 = arith.constant 0 : i32
    %dma_wait3A_717 = tpu.memref_slice %arg4[%add3A_692, %dma_wait3A_715, %dma_wait3A_716] : memref<16384x200x128xf32, #tpu.memory_space<hbm>> -> memref<1x200x64xf32, #tpu.memory_space<hbm>>
    %dma_wait3A_718 = tpu.memref_squeeze %dma_wait3A_717 : memref<1x200x64xf32, #tpu.memory_space<hbm>> -> memref<200x64xf32, #tpu.memory_space<hbm>>
    %dma_wait3A_719 = arith.constant 0 : i32
    %dma_wait3A_720 = arith.constant 0 : i32
    %dma_wait3A_721 = tpu.memref_slice %arg4[%add3A_692, %dma_wait3A_719, %dma_wait3A_720] : memref<16384x200x128xf32, #tpu.memory_space<hbm>> -> memref<1x200x64xf32, #tpu.memory_space<hbm>>
    %dma_wait3A_722 = tpu.memref_squeeze %dma_wait3A_721 : memref<1x200x64xf32, #tpu.memory_space<hbm>> -> memref<200x64xf32, #tpu.memory_space<hbm>>
    %dma_wait3A_723 = arith.constant 200 : i32
    %dma_wait3A_724 = arith.constant 0 : i32
    %dma_wait3A_725 = tpu.memref_slice %arg6[%dma_wait3A_710, %dma_wait3A_723, %dma_wait3A_724] : memref<4x400x64xf32, #tpu.memory_space<vmem>> -> memref<1x200x64xf32, #tpu.memory_space<vmem>>
    %dma_wait3A_726 = tpu.memref_squeeze %dma_wait3A_725 : memref<1x200x64xf32, #tpu.memory_space<vmem>> -> memref<200x64xf32, #tpu.memory_space<vmem>>
    tpu.wait_dma2 semaphore(%arg18 : memref<!tpu.dma_semaphore, #tpu.memory_space<semaphore_mem>>) src(%dma_wait3A_726 : memref<200x64xf32, #tpu.memory_space<vmem>>) dst(%dma_wait3A_722 : memref<200x64xf32, #tpu.memory_space<hbm>>)
    %add3A_727 = arith.constant 102400 : i32
    %add3A_728 = arith.addi %mul3A_2, %add3A_727 : i32
    %min3A_729 = arith.minsi %add3A_728, %add3A_4 : i32
    %dma_wait3A_730 = arith.constant 0 : i32
    %dma_wait3A_731 = arith.constant 0 : i32
    %dma_wait3A_732 = tpu.memref_slice %arg5[%dma_wait3A_730, %dma_wait3A_731] : memref<4x400xi32, #tpu.memory_space<vmem>> -> memref<1x400xi32, #tpu.memory_space<vmem>>
    %dma_wait3A_733 = tpu.memref_squeeze %dma_wait3A_732 : memref<1x400xi32, #tpu.memory_space<vmem>> -> memref<400xi32, #tpu.memory_space<vmem>>
    %dma_wait3A_734 = tpu.memref_slice %arg2[%min3A_729] : memref<3276800xi32, #tpu.memory_space<hbm>> -> memref<400xi32, #tpu.memory_space<hbm>>
    %dma_wait3A_735 = arith.constant 0 : i32
    %dma_wait3A_736 = tpu.memref_slice %arg5[%dma_wait3A_730, %dma_wait3A_735] : memref<4x400xi32, #tpu.memory_space<vmem>> -> memref<1x400xi32, #tpu.memory_space<vmem>>
    %dma_wait3A_737 = tpu.memref_squeeze %dma_wait3A_736 : memref<1x400xi32, #tpu.memory_space<vmem>> -> memref<400xi32, #tpu.memory_space<vmem>>
    %dma_wait3A_738 = tpu.memref_slice %arg2[%min3A_729] : memref<3276800xi32, #tpu.memory_space<hbm>> -> memref<400xi32, #tpu.memory_space<hbm>>
    tpu.wait_dma2 semaphore(%arg7 : memref<!tpu.dma_semaphore, #tpu.memory_space<semaphore_mem>>) src(%dma_wait3A_738 : memref<400xi32, #tpu.memory_space<hbm>>) dst(%dma_wait3A_737 : memref<400xi32, #tpu.memory_space<vmem>>)
    %add3A_739 = arith.constant 102800 : i32
    %add3A_740 = arith.addi %mul3A_2, %add3A_739 : i32
    %min3A_741 = arith.minsi %add3A_740, %add3A_4 : i32
    %dma_wait3A_742 = arith.constant 1 : i32
    %dma_wait3A_743 = arith.constant 0 : i32
    %dma_wait3A_744 = tpu.memref_slice %arg5[%dma_wait3A_742, %dma_wait3A_743] : memref<4x400xi32, #tpu.memory_space<vmem>> -> memref<1x400xi32, #tpu.memory_space<vmem>>
    %dma_wait3A_745 = tpu.memref_squeeze %dma_wait3A_744 : memref<1x400xi32, #tpu.memory_space<vmem>> -> memref<400xi32, #tpu.memory_space<vmem>>
    %dma_wait3A_746 = tpu.memref_slice %arg2[%min3A_741] : memref<3276800xi32, #tpu.memory_space<hbm>> -> memref<400xi32, #tpu.memory_space<hbm>>
    %dma_wait3A_747 = arith.constant 0 : i32
    %dma_wait3A_748 = tpu.memref_slice %arg5[%dma_wait3A_742, %dma_wait3A_747] : memref<4x400xi32, #tpu.memory_space<vmem>> -> memref<1x400xi32, #tpu.memory_space<vmem>>
    %dma_wait3A_749 = tpu.memref_squeeze %dma_wait3A_748 : memref<1x400xi32, #tpu.memory_space<vmem>> -> memref<400xi32, #tpu.memory_space<vmem>>
    %dma_wait3A_750 = tpu.memref_slice %arg2[%min3A_741] : memref<3276800xi32, #tpu.memory_space<hbm>> -> memref<400xi32, #tpu.memory_space<hbm>>
    tpu.wait_dma2 semaphore(%arg8 : memref<!tpu.dma_semaphore, #tpu.memory_space<semaphore_mem>>) src(%dma_wait3A_750 : memref<400xi32, #tpu.memory_space<hbm>>) dst(%dma_wait3A_749 : memref<400xi32, #tpu.memory_space<vmem>>)
    return
  }
}

</mosaic_0001>

<sc_bundles>
// kernel: kernel.3.cloned.1.call-start
scs
__scs_entry_jumppad:
0x0: {  	(pc) =	sbr.rel $0x88, $3  }
0x1: {  	(tag) =	ssettag $0x0;
	lr =	simm.s32 $0x1  }
0x2: {  	[smem:$0x3F9F] =	sst lr;
	_ =	strace $0xD0000000  }
0x3: {  	_ = 	snop  }
0x4: {  	_ = 	snop  }
0x5: {  	_ = 	snop  }
0x6: {  	_ = 	snop  }
0x7: {  	_ = 	snop  }
__scs_overlays_trampoline_lowered:
0x8: {  	[smem:$0x3FAE] =	sst s0  }
0x9: {  	[smem:$0x3FAF] =	sst s1  }
0xa: {  	[smem:$0x3FB0] =	sst s2  }
0xb: {  	[smem:$0x3FB1] =	sst s3  }
0xc: {  	[smem:$0x3FB2] =	sst s4  }
0xd: {  	[smem:$0x3FB3] =	sst s5  }
0xe: {  	[smem:$0x3FB4] =	sst s6  }
0xf: {  	[smem:$0x3FB5] =	sst s7  }
0x10: {  	[smem:$0x3FB6] =	sst s8  }
0x11: {  	[smem:$0x3FB7] =	sst s9;
	s0 =	simm.s32 @!p0 $0x0  }
0x12: {  	s1 =	sld [smem:$0x3F9D];
	s0 =	simm.s32 @p0 $0x1  }
0x13: {  	[smem:$0x3FB8] =	sst s0;
	s0 =	simm.s32 @!p1 $0x0  }
0x14: {  	s2 =	sld [smem:$0x3F9C];
	s0 =	simm.s32 @p1 $0x1  }
0x15: {  	[smem:$0x3FB9] =	sst s0;
	s0 =	simm.s32 @!p2 $0x0  }
0x16: {  	s3 =	sld [smem:$0x3FDB];
	s0 =	simm.s32 @p2 $0x1  }
0x17: {  	s4 =	simm.s32 $0x1BF5;
	[smem:$0x3FBB] =	sst s0  }
0x18: {  	s0 =	sld [smem:$0x3F9E];
	_ =	swait.ge [sflag:s4], $0x0  }
0x19: {  	s7 =	sld [smem:$0x3F9F]  }
0x1a: {  	s8 =	sadd.s32 $0xFFFFE003, lr  }
0x1b: {  	s9 =	sadd.s32 $0xFFFFFEF7, lr;
	s5 =	simm.s32 $0xFFFFFFFF;
	p2 =	slt.u32 s8, $0xFFFFF086  }
0x1c: {  	p1 =	slt.u32 s9, $0xF7A;
	s5 =	simm.s32 @!p2 $0x0  }
0x1d: {  	s5 =	simm.s32 @p1 $0x1;
	p0 =	seq.s32 s7, s2  }
0x1e: {  	s7 =	smul.u32 @!p0 $0xF7A, s2;
	p2 =	seq.s32 @!p0 s5, $0x0  }
0x1f: {  	s9 =	smul.u32 $0xF7A, s1;
	s8 =	simm.s32 @!p0 $0x1BF5;
	p2 =	por !p2, p0  }
0x20: {  	[sflag:s8] =	ssyncset.s32 @!p0 $0xFFFFF086;
	s6 =	sadd.s32 @!p0 s3, s7;
	s7 =	simm.s32 @!p0 $0x108  }
0x21: {  	s3 =	sadd.s32 s3, s9;
	s6 =	sadd.s32 @!p0 $0x88, s6;
	s7 =	simm.s32 @p2 $0x1082  }
0x22: {  	[simem:s7], [sflag:s8] =	dma.local @!p0 [hbm:s6], $0xF7A  }
0x23: {  	s9 =	sor.u32 $0xD0000000, s2;
	s6 =	simm.s32 $0x108;
	_ =	swait.ge @!p0 [sflag:s8], $0x0  }
0x24: {  	s3 =	sadd.s32 $0x88, s3;
	s6 =	simm.s32 @!p1 $0x1082;
	[sflag:s4] =	ssyncset.s32 $0xFFFFF086  }
0x25: {  	[simem:s6], [sflag:s4] =	dma.local [hbm:s3], $0xF7A  }
0x26: {  	[smem:$0x3F9F] =	sst s1;
	(tag) =	ssettag s2;
	_ =	strace s9  }
0x27: {  	s1 =	sld [smem:$0x3FAF]  }
0x28: {  	s2 =	sld [smem:$0x3FB0]  }
0x29: {  	s4 =	sld [smem:$0x3FB2]  }
0x2a: {  	p0 =	seq.s32 s5, $0x0;
	s5 =	sld [smem:$0x3FB3]  }
0x2b: {  	s6 =	sld [smem:$0x3FB4]  }
0x2c: {  	s7 =	sld [smem:$0x3FB5]  }
0x2d: {  	s3 =	simm.s32 $0x108;
	s8 =	sld [smem:$0x3FB6]  }
0x2e: {  	s3 =	simm.s32 @!p0 $0x1082;
	s9 =	sld [smem:$0x3FB7]  }
0x2f: {  	lr =	sadd.s32 s0, s3;
	s0 =	sld [smem:$0x3FAE]  }
0x30: {  	s3 =	sld [smem:$0x3FB1]  }
0x31: {  	[smem:$0x3FBA] =	sst s10  }
0x32: {  	s10 =	sld [smem:$0x3FB8];
	_ =	sdelay $0x3  }
0x33: {  	p0 =	seq.s32 s10, $0x1;
	s10 =	sld [smem:$0x3FBA];
	_ =	sdelay $0x3  }
0x34: {  	[smem:$0x3FBA] =	sst s10  }
0x35: {  	s10 =	sld [smem:$0x3FB9];
	_ =	sdelay $0x3  }
0x36: {  	p1 =	seq.s32 s10, $0x1;
	s10 =	sld [smem:$0x3FBA];
	_ =	sdelay $0x3  }
0x37: {  	[smem:$0x3FBA] =	sst s10  }
0x38: {  	s10 =	sld [smem:$0x3FBB]  }
0x39: {  	_ = 	snop;
	(pc) =	sbr.ind lr, $3  }
0x3a: {  	_ = 	snop  }
0x3b: {  	_ = 	snop  }
0x3c: {  	p2 =	seq.s32 s10, $0x1;
	s10 =	sld [smem:$0x3FBA]  }
0x3d: {  	_ =	shalt  }
0x3e: {  	_ =	shalt  }
0x3f: {  	_ =	shalt  }
0x40: {  	_ =	shalt  }
0x41: {  	_ =	shalt  }
0x42: {  	_ =	shalt  }
0x43: {  	_ =	shalt  }
0x44: {  	_ =	shalt  }
0x45: {  	_ =	shalt  }
0x46: {  	_ =	shalt  }
0x47: {  	_ =	shalt  }
0x48: {  	_ =	shalt  }
0x49: {  	_ =	shalt  }
0x4a: {  	_ =	shalt  }
0x4b: {  	_ =	shalt  }
0x4c: {  	_ =	shalt  }
0x4d: {  	_ =	shalt  }
0x4e: {  	_ =	shalt  }
0x4f: {  	_ =	shalt  }
0x50: {  	_ =	shalt  }
0x51: {  	_ =	shalt  }
0x52: {  	_ =	shalt  }
0x53: {  	_ =	shalt  }
0x54: {  	_ =	shalt  }
0x55: {  	_ =	shalt  }
0x56: {  	_ =	shalt  }
0x57: {  	_ =	shalt  }
0x58: {  	_ =	shalt  }
0x59: {  	_ =	shalt  }
0x5a: {  	_ =	shalt  }
0x5b: {  	_ =	shalt  }
0x5c: {  	_ =	shalt  }
0x5d: {  	_ =	shalt  }
0x5e: {  	_ =	shalt  }
0x5f: {  	_ =	shalt  }
0x60: {  	_ =	shalt  }
0x61: {  	_ =	shalt  }
0x62: {  	_ =	shalt  }
0x63: {  	_ =	shalt  }
0x64: {  	_ =	shalt  }
0x65: {  	_ =	shalt  }
0x66: {  	_ =	shalt  }
0x67: {  	_ =	shalt  }
0x68: {  	_ =	shalt  }
0x69: {  	_ =	shalt  }
0x6a: {  	_ =	shalt  }
0x6b: {  	_ =	shalt  }
0x6c: {  	_ =	shalt  }
0x6d: {  	_ =	shalt  }
0x6e: {  	_ =	shalt  }
0x6f: {  	_ =	shalt  }
0x70: {  	_ =	shalt  }
0x71: {  	_ =	shalt  }
0x72: {  	_ =	shalt  }
0x73: {  	_ =	shalt  }
0x74: {  	_ =	shalt  }
0x75: {  	_ =	shalt  }
0x76: {  	_ =	shalt  }
0x77: {  	_ =	shalt  }
0x78: {  	_ =	shalt  }
0x79: {  	_ =	shalt  }
0x7a: {  	_ =	shalt  }
0x7b: {  	_ =	shalt  }
0x7c: {  	_ =	shalt  }
0x7d: {  	_ =	shalt  }
0x7e: {  	_ =	shalt  }
0x7f: {  	_ =	shalt  }
0x80: {  	_ =	shalt  }
0x81: {  	_ =	shalt  }
0x82: {  	_ =	shalt  }
0x83: {  	_ =	shalt  }
0x84: {  	_ =	shalt  }
0x85: {  	_ =	shalt  }
0x86: {  	_ =	shalt  }
0x87: {  	_ =	shalt  }
.Lfunc_end0:
.L_simem_size_0:
called_computation.1_lowered:
.L_overlay_start_0:
0x88: {  	s2 =	sld [smem:$0x3FD9]  }
0x89: {  	s3 =	sld [smem:$0x3FFE];
	_ =	sdelay $0x1  }
0x8a: {  	s1 =	srdreg.scid  }
0x8b: {  	s0 =	sand.u32 $0x1, s1  }
0x8c: {  	s16 =	sshll.u32 s0, $0xA;
	s2 =	sadd.s32 s3, s2  }
0x8d: {  	s2 =	sadd.s32 s2, s16  }
0x8e: {  	[smem:$0x3FC6] =	sst s2  }
0x8f: {  	_ = 	snop  }
0x90: {  	(tm) =	ssettm $0x1  }
0x91: {  	s17 =	sld [smem:$0x3FFB];
	_ =	sdelay $0x3  }
0x92: {  	_ =	strace s17  }
0x93: {  	s2 =	sld [smem:$0x3FFC];
	_ =	sdelay $0x3  }
0x94: {  	_ =	strace s2  }
0x95: {  	s2 =	sld [smem:$0x3FFD];
	_ =	sdelay $0x3  }
0x96: {  	_ =	strace s2  }
0x97: {  	_ =	strace $0x8FFFFFFF  }
0x98: {  	s18 =	sld [smem:$0x3FDB];
	_ =	sdelay $0x1  }
0x99: {  	s19 =	simm.s32 $_scs_section_size  }
0x9a: {  	s4 =	simm.s32 $_size__tile_overlayer_lowered;
	s5 =	simm.s32 $_tile_overlayer_lowered  }
0x9b: {  	s22 =	simm.s32 $0x1BFF;
	s21 =	sshll.u32 s5, $0x1;
	s2 =	sadd.s32 s19, s18  }
0x9c: {  	s6 =	simm.s32 $0x0;
	s20 =	sshll.u32 s4, $0x1;
	s4 =	sadd.s32 s21, s2  }
0x9d: {  	[timem:s6], [sflag:s22] =	dma.local [hbm:s4], s20  }
0x9e: {  	_ =	swait.ge [sflag:s22], s20  }
0x9f: {  	s3 =	ssub.s32 $0x0, s20;
	[sflag:s22] =	ssyncset.done $0x0  }
0xa0: {  	[sflag:s22] =	ssyncadd.s32 s3;
	_ =	sdelay $0x1  }
0xa1: {  	s23 =	simm.s32 $0x1B8B  }
0xa2: {  	_ =	swait.ge [sflag:s23], $0x1  }
0xa3: {  	[sflag:s23] =	ssyncset.done $0x0  }
0xa4: {  	s25 =	simm.s32 $0x1B8E;
	s24 =	sld [smem:$0x3FFE];
	[sflag:s23] =	ssyncadd.s32 $0xFFFFFFFF  }
0xa5: {  	s26 =	simm.s32 $execute0_lowered;
	[smem:$0x3FD2] =	sst s25  }
0xa6: {  	s4 =	sshll.u32 s26, $0x1;
	_ =	strace $0x80000046;
	[dreg:$0x1] =	wrdreg $0xFFFFFFFF  }
0xa7: {  	s28 =	simm.s32 $_size_execute0_lowered;
	s2 =	sadd.s32 s2, s4;
	[dreg:$0x0] =	wrdreg $0x0  }
0xa8: {  	s4 =	sshll.u32 s28, $0x1;
	[dreg:$0x2] =	wrdreg s2  }
0xa9: {  	[dreg:$0x3] =	wrdreg s4  }
0xaa: {  	[dreg:$0x4] =	wrdreg $0xC0  }
0xab: {  	_ =	task [dreg:s6], $0x5FFFF  }
0xac: {  	[dreg:$0x1] =	wrdreg $0xFFFFFFFF  }
0xad: {  	[dreg:$0x0] =	wrdreg $0x60  }
0xae: {  	[dreg:$0x2] =	wrdreg s24  }
0xaf: {  	[dreg:$0x3] =	wrdreg $0x9  }
0xb0: {  	_ =	task.clear_ibuf [dreg:s6], $0x4FFFF;
	_ =	strace $0x90000046  }
0xb1: {  	s29 =	simm.s32 $0x9;
	_ =	strace $0x80000048  }
0xb2: {  	_ =	swait.ge [sflag:s29], $0x1  }
0xb3: {  	[sflag:s29] =	ssyncadd.s32 $0xFFFFFFFF  }
0xb4: {  	_ =	strace $0x90000048  }
0xb5: {  	_ =	sfence  }
0xb6: {  	s30 =	sld [smem:$0x0];
	_ =	sdelay $0x2  }
0xb7: {  	s31 =	sshll.u32 s1, $0xD;
	s1 =	sshrl.u32 s1, $0x2  }
0xb8: {  	s3 =	sand.u32 $0x4000, s31;
	s1 =	sadd.s32 s1, s30  }
0xb9: {  	s0 =	sor.u32 s3, s0;
	s1 =	sshll.u32 s1, $0x11  }
0xba: {  	s0 =	sor.u32 s1, s0  }
0xbb: {  	s0 =	sadd.s32 $0x8F2B, s0  }
0xbc: {  	[sflag:s0] =	ssyncadd.remote.s32 $0x1  }
0xbd: {  	_ =	sfence.sel $0xFFFF  }
0xbe: {  	[dreg:$0x0] =	wrdreg $0xFFFFFFFF;
	(pc) =	sbr.abs _section_cstart, $3  }
0xbf: {  	[dreg:$0x1] =	wrdreg $0xFFFFFFFF  }
0xc0: {  	_ =	task.clear_ibuf [dreg:s6], $0x2FFFF;
	_ =	strace $0x9FFFFFFF  }
0xc1: {  	(tm) =	ssettm $0x7FFFFFFF  }
tec
execute0_lowered:
.L_overlay_start_1:
0x0: {  	(tag) =	ssettag $0x1  }
0x1: {  	s0 =	srdreg.scid  }
0x2: {  	s14 =	stileid.u32;
	s6 =	rddreg [dreg:$0x0]  }
0x3: {  	s2 =	simm.s32 $0x0;
	s31 =	simm.s32 $0x320;
	s30 =	simm.s32 $0x640  }
0x4: {  	s29 =	simm.s32 $0x13240;
	s0 =	sand.u32 $0x1, s0;
	s1 =	sshll.u32 s14, $0x1  }
0x5: {  	[smem:$0x7FF] =	sst s2;
	s3 =	sadd.s32 $0x800, s6;
	s13 =	sadd.s32 $0x805A00, s6  }
0x6: {  	s4 =	sadd.s32 $0x64800, s6;
	s18 =	smul.u32 $0x32000, s14;
	s6 =	sadd.s32 $0x806680, s6  }
0x7: {  	s1 =	sor.u32 s0, s1;
	s5 =	ssub.s32 $0x2, s0;
	s0 =	smul.u32 $0x19000, s0  }
0x8: {  	_ =	strace $0x80000047;
	s7 =	smul.u32 $0x19000, s1;
	s10 =	sshrl.u32 s5, $0x1  }
0x9: {  	s1 =	smul.u32 $0x190000, s1;
	s10 =	ssub.s32 s5, s10;
	s0 =	sadd.s32 s0, s18  }
0xa: {  	s8 =	sor.u32 $0x190, s7;
	s12 =	sadd.s32 $0x18CE0, s7;
	s28 =	sadd.s32 $0x18E70, s7  }
0xb: {  	s7 =	sshrl.u32 s7, $0x3;
	s20 =	sadd.s32 s13, s1;
	s1 =	sadd.s32 s1, s6  }
0xc: {  	s25 =	sor.u32 $0x4B0, s0;
	s14 =	sor.u32 $0x7D0, s0;
	s9 =	smulhi.u32 $0x147AE15, s8  }
0xd: {  	s12 =	smulhi.u32 $0x147AE15, s12;
	s5 =	sadd.s32 s3, s7;
	[dreg:$0xa] =	wrdreg s20  }
0xe: {  	s16 =	sshrl.u32 s8, $0x3;
	[dreg:$0xb] =	wrdreg s1;
	s21 =	smulhi.u32 $0x147AE15, s28  }
0xf: {  	s15 =	smulhi.u32 $0x147AE15, s14;
	s20 =	sor.u32 $0x640, s0;
	s14 =	simm.s32 $0x320  }
0x10: {  	s7 =	sadd.s32 s3, s16;
	[dreg:$0x6] =	wrdreg s5;
	s11 =	smul.u32 $0xC80, s9  }
0x11: {  	s17 =	sadd.s32 $0x64, s5;
	s9 =	smul.u32 $0x6400, s9;
	[dreg:$0x7] =	wrdreg s7  }
0x12: {  	s19 =	sadd.s32 $0x96, s5;
	s8 =	smul.u32 $0xC80, s12;
	[dreg:$0x8] =	wrdreg s17  }
0x13: {  	s22 =	sadd.s32 $0xC8, s5;
	[dreg:$0x9] =	wrdreg s19;
	s12 =	smul.u32 $0x6400, s12  }
0x14: {  	s5 =	sadd.s32 $0xFA, s5;
	[dreg:$0xc] =	wrdreg s22;
	s24 =	smul.u32 $0x6400, s21  }
0x15: {  	s16 =	sor.u32 $0x320, s0;
	s1 =	smul.u32 $0xC80, s21;
	[dreg:$0x11] =	wrdreg s5  }
0x16: {  	s21 =	smax.u32 s10, $0x1;
	s22 =	sor.u32 $0xAF0, s0;
	s10 =	simm.s32 $0x0  }
0x17: {  	[dreg:$0x14] =	wrdreg s21;
	s21 =	simm.s32 $0x3840;
	s23 =	sadd.s32 s13, s11  }
0x18: {  	s9 =	sshrl.u32 s9, $0x3;
	s12 =	sshrl.u32 s12, $0x3;
	s11 =	smulhi.u32 $0x147AE15, s25  }
0x19: {  	s7 =	sshrl.u32 s24, $0x3;
	s17 =	sadd.s32 s13, s8;
	[dreg:$0xd] =	wrdreg s23  }
0x1a: {  	s1 =	sadd.s32 s13, s1;
	s24 =	sshrl.u32 s22, $0x3;
	[dreg:$0x12] =	wrdreg s17  }
0x1b: {  	s8 =	simm.s32 $0x40;
	s9 =	sadd.s32 s9, s6;
	[dreg:$0x13] =	wrdreg s1  }
0x1c: {  	s26 =	sadd.s32 s12, s6;
	s6 =	sadd.s32 s7, s6;
	[dreg:$0xe] =	wrdreg s9  }
0x1d: {  	s7 =	smulhi.u32 $0x147AE15, s16;
	s23 =	sor.u32 $0x960, s0;
	[dreg:$0xf] =	wrdreg s26  }
0x1e: {  	s0 =	sor.u32 $0xE10, s0;
	s12 =	smul.u32 $0xC80, s11;
	[dreg:$0x10] =	wrdreg s6  }
0x1f: {  	s16 =	simm.s32 $0x7;
	s6 =	smul.u32 $0xC80, s15;
	[dreg:$0x15] =	wrdreg s0  }
0x20: {  	s0 =	sadd.s32 s24, s3;
	s24 =	simm.s32 $0x190;
	s9 =	simm.s32 $0x80  }
0x21: {  	s11 =	simm.s32 $0x4;
	s15 =	simm.s32 $0x9;
	s19 =	smul.u32 $0xC80, s7  }
0x22: {  	s7 =	smulhi.u32 $0x147AE15, s20;
	[dreg:$0x16] =	wrdreg s0;
	s18 =	sadd.s32 s12, s13  }
0x23: {  	s20 =	simm.s32 $0x640;
	s6 =	sadd.s32 s6, s13;
	[dreg:$0x2] =	wrdreg s18  }
0x24: {  	s0 =	simm.s32 $0x6A40;
	s12 =	simm.s32 $0x4B0;
	[dreg:$0x3] =	wrdreg s6  }
0x25: {  	s1 =	sadd.s32 s19, s13;
	s7 =	smul.u32 $0xC80, s7;
	s18 =	simm.s32 $0xA  }
0x26: {  	s19 =	simm.s32 $0x8;
	[dreg:$0x4] =	wrdreg s1;
	s1 =	sshrl.u32 s23, $0x3  }
0x27: {  	s6 =	simm.s32 $0xB;
	s23 =	simm.s32 $0xC;
	s25 =	sadd.s32 s1, s3  }
0x28: {  	s26 =	sadd.s32 s7, s13;
	s1 =	simm.s32 $0x3;
	[dreg:$0x17] =	wrdreg s25  }
0x29: {  	s7 =	simm.s32 $0x5;
	s13 =	simm.s32 $0x6;
	[dreg:$0x5] =	wrdreg s26  }
.LBB2_1:
0x2a: {  	[dreg:$0x18] =	wrdreg s10  }
0x2b: {  	s5 =	rddreg [dreg:$0x6]  }
0x2c: {  	[tilespmem:s2], [sflag:$0x1] =	stream.linear.gather [hbm4b:s5+s2], $0x190, $0x38;
	[tilespmem:$0x19640] =	vst v63  }
0x2d: {  	s10 =	rddreg [dreg:$0x7]  }
0x2e: {  	[tilespmem:s24], [sflag:$0x2] =	stream.linear.gather [hbm4b:s10+s2], $0x190, $0x38;
	[tilespmem:$0x19640] =	vst v63  }
0x2f: {  	s10 =	simm.s32 $0x1  }
0x30: {  	_ =	swait.ge [sflag:s10], $0x190  }
0x31: {  	[sflag:s10] =	ssyncset.done $0x0  }
0x32: {  	[sflag:s10] =	ssyncadd.s32 $0xFFFFFE70  }
0x33: {  	[tilespmem:s20], [sflag:$0x5] =	stream.indirect.gather [hbm4b:s4+s24], $0x40, s2, s24, $0xb8;
	[tilespmem:$0x19640] =	vst v63  }
0x34: {  	s26 =	simm.s32 $0x2;
	s17 =	rddreg [dreg:$0x8]  }
0x35: {  	[tilespmem:s14], [sflag:$0x3] =	stream.linear.gather [hbm4b:s17+s2], $0x190, $0x38;
	[tilespmem:$0x19640] =	vst v63  }
0x36: {  	_ =	swait.ge [sflag:s26], $0x190  }
0x37: {  	[sflag:s26] =	ssyncset.done $0x0  }
0x38: {  	[sflag:s26] =	ssyncadd.s32 $0xFFFFFE70  }
0x39: {  	[tilespmem:s0], [sflag:$0x6] =	stream.indirect.gather [hbm4b:s4+s24], $0x40, s24, s24, $0xb8;
	[tilespmem:$0x19640] =	vst v63  }
0x3a: {  	s22 =	rddreg [dreg:$0x9]  }
0x3b: {  	[tilespmem:s12], [sflag:$0x4] =	stream.linear.gather [hbm4b:s22+s2], $0x190, $0x38;
	[tilespmem:$0x19640] =	vst v63  }
0x3c: {  	_ =	swait.ge [sflag:s1], $0x190  }
0x3d: {  	[sflag:s1] =	ssyncset.done $0x0  }
0x3e: {  	s17 =	simm.s32 $0xCE40;
	[sflag:s1] =	ssyncadd.s32 $0xFFFFFE70  }
0x3f: {  	[tilespmem:s17], [sflag:$0x7] =	stream.indirect.gather [hbm4b:s4+s24], $0x40, s14, s24, $0xb8;
	[tilespmem:$0x19640] =	vst v63  }
0x40: {  	_ =	swait.ge [sflag:s7], $0x6400  }
0x41: {  	[sflag:s7] =	ssyncset.done $0x0  }
0x42: {  	s25 =	rddreg [dreg:$0xa];
	[sflag:s7] =	ssyncadd.s32 $0xFFFF9C00  }
0x43: {  	[hbm4b:s25+s8] =	stream.strided.scatter [tilespmem:s20], [sflag:$0x9], $0x3200, s9, s8, $0x38;
	[tilespmem:$0x19640] =	vst v63  }
0x44: {  	s22 =	rddreg [dreg:$0xb]  }
0x45: {  	[hbm4b:s22+s8] =	stream.strided.scatter [tilespmem:s21], [sflag:$0x9], $0x3200, s9, s8, $0x38;
	[tilespmem:$0x19640] =	vst v63  }
0x46: {  	s25 =	rddreg [dreg:$0xc]  }
0x47: {  	[tilespmem:s2], [sflag:$0x1] =	stream.linear.gather [hbm4b:s25+s2], $0x190, $0x38;
	[tilespmem:$0x19640] =	vst v63  }
0x48: {  	_ =	swait.ge [sflag:s11], $0x190  }
0x49: {  	[sflag:s11] =	ssyncset.done $0x0  }
0x4a: {  	s25 =	simm.s32 $0x13240;
	[sflag:s11] =	ssyncadd.s32 $0xFFFFFE70  }
0x4b: {  	[tilespmem:s25], [sflag:$0x8] =	stream.indirect.gather [hbm4b:s4+s24], $0x40, s12, s24, $0xb8;
	[tilespmem:$0x19640] =	vst v63  }
0x4c: {  	_ =	swait.ge [sflag:s13], $0x6400  }
0x4d: {  	[sflag:s13] =	ssyncset.done $0x0  }
0x4e: {  	s22 =	rddreg [dreg:$0xd];
	[sflag:s13] =	ssyncadd.s32 $0xFFFF9C00  }
0x4f: {  	[hbm4b:s22+s8] =	stream.strided.scatter [tilespmem:s0], [sflag:$0xA], $0x3200, s9, s8, $0x38;
	[tilespmem:$0x19640] =	vst v63  }
0x50: {  	s5 =	rddreg [dreg:$0xe];
	s22 =	simm.s32 $0x9C40  }
0x51: {  	[hbm4b:s5+s8] =	stream.strided.scatter [tilespmem:s22], [sflag:$0xA], $0x3200, s9, s8, $0x38;
	[tilespmem:$0x19640] =	vst v63  }
0x52: {  	s22 =	rddreg [dreg:$0x11]  }
0x53: {  	[tilespmem:s24], [sflag:$0x2] =	stream.linear.gather [hbm4b:s22+s2], $0x190, $0x38;
	[tilespmem:$0x19640] =	vst v63  }
0x54: {  	_ =	swait.ge [sflag:s15], $0x3200  }
0x55: {  	[sflag:s15] =	ssyncset.done $0x0  }
0x56: {  	[sflag:s15] =	ssyncadd.s32 $0xFFFFCE00  }
0x57: {  	_ =	swait.ge [sflag:s15], $0x3200  }
0x58: {  	[sflag:s15] =	ssyncset.done $0x0  }
0x59: {  	[sflag:s15] =	ssyncadd.s32 $0xFFFFCE00  }
0x5a: {  	_ =	swait.ge [sflag:s10], $0x190  }
0x5b: {  	[sflag:s10] =	ssyncset.done $0x0  }
0x5c: {  	[sflag:s10] =	ssyncadd.s32 $0xFFFFFE70  }
0x5d: {  	[tilespmem:s20], [sflag:$0x5] =	stream.indirect.gather [hbm4b:s4+s24], $0x40, s2, s24, $0xb8;
	[tilespmem:$0x19640] =	vst v63  }
0x5e: {  	_ =	swait.ge [sflag:s16], $0x6400  }
0x5f: {  	s5 =	rddreg [dreg:$0x4];
	[sflag:s16] =	ssyncset.done $0x0  }
0x60: {  	[sflag:s16] =	ssyncadd.s32 $0xFFFF9C00;
	s10 =	sadd.s32 $0x0, s5  }
0x61: {  	[hbm4b:s10+s8] =	stream.strided.scatter [tilespmem:s17], [sflag:$0xB], $0x3200, s9, s8, $0x38;
	[tilespmem:$0x19640] =	vst v63  }
0x62: {  	s22 =	simm.s32 $0x10040;
	s10 =	sadd.s32 $0xC80, s10  }
0x63: {  	[hbm4b:s10+s8] =	stream.strided.scatter [tilespmem:s22], [sflag:$0xB], $0x3200, s9, s8, $0x38;
	[tilespmem:$0x19640] =	vst v63  }
0x64: {  	s22 =	rddreg [dreg:$0x17]  }
0x65: {  	[tilespmem:s14], [sflag:$0x3] =	stream.linear.gather [hbm4b:s22+s2], $0x190, $0x38;
	[tilespmem:$0x19640] =	vst v63  }
0x66: {  	_ =	swait.ge [sflag:s18], $0x3200  }
0x67: {  	[sflag:s18] =	ssyncset.done $0x0  }
0x68: {  	[sflag:s18] =	ssyncadd.s32 $0xFFFFCE00  }
0x69: {  	_ =	swait.ge [sflag:s18], $0x3200  }
0x6a: {  	[sflag:s18] =	ssyncset.done $0x0  }
0x6b: {  	[sflag:s18] =	ssyncadd.s32 $0xFFFFCE00  }
0x6c: {  	_ =	swait.ge [sflag:s26], $0x190  }
0x6d: {  	[sflag:s26] =	ssyncset.done $0x0  }
0x6e: {  	[sflag:s26] =	ssyncadd.s32 $0xFFFFFE70  }
0x6f: {  	[tilespmem:s0], [sflag:$0x6] =	stream.indirect.gather [hbm4b:s4+s24], $0x40, s24, s24, $0xb8;
	[tilespmem:$0x19640] =	vst v63  }
0x70: {  	_ =	swait.ge [sflag:s19], $0x6400  }
0x71: {  	s5 =	rddreg [dreg:$0x2];
	[sflag:s19] =	ssyncset.done $0x0  }
0x72: {  	[sflag:s19] =	ssyncadd.s32 $0xFFFF9C00;
	s10 =	sadd.s32 $0x0, s5  }
0x73: {  	[hbm4b:s10+s8] =	stream.strided.scatter [tilespmem:s25], [sflag:$0xC], $0x3200, s9, s8, $0x38;
	[tilespmem:$0x19640] =	vst v63  }
0x74: {  	s26 =	simm.s32 $0x16440;
	s10 =	sadd.s32 $0xC80, s10  }
0x75: {  	[hbm4b:s10+s8] =	stream.strided.scatter [tilespmem:s26], [sflag:$0xC], $0x3200, s9, s8, $0x38;
	[tilespmem:$0x19640] =	vst v63  }
0x76: {  	s26 =	rddreg [dreg:$0x16]  }
0x77: {  	[tilespmem:s12], [sflag:$0x4] =	stream.linear.gather [hbm4b:s26+s2], $0x190, $0x38;
	[tilespmem:$0x19640] =	vst v63  }
0x78: {  	_ =	swait.ge [sflag:s6], $0x3200  }
0x79: {  	[sflag:s6] =	ssyncset.done $0x0  }
0x7a: {  	[sflag:s6] =	ssyncadd.s32 $0xFFFFCE00  }
0x7b: {  	_ =	swait.ge [sflag:s6], $0x3200  }
0x7c: {  	[sflag:s6] =	ssyncset.done $0x0  }
0x7d: {  	[sflag:s6] =	ssyncadd.s32 $0xFFFFCE00  }
0x7e: {  	_ =	swait.ge [sflag:s1], $0x190  }
0x7f: {  	[sflag:s1] =	ssyncset.done $0x0  }
0x80: {  	[sflag:s1] =	ssyncadd.s32 $0xFFFFFE70  }
0x81: {  	[tilespmem:s17], [sflag:$0x7] =	stream.indirect.gather [hbm4b:s4+s24], $0x40, s14, s24, $0xb8;
	[tilespmem:$0x19640] =	vst v63  }
0x82: {  	_ =	swait.ge [sflag:s7], $0x6400  }
0x83: {  	s17 =	smov.u32 s28;
	s5 =	rddreg [dreg:$0x15]  }
0x84: {  	s10 =	rddreg [dreg:$0x5];
	[sflag:s7] =	ssyncset.done $0x0;
	s14 =	sadd.s32 $0xFFFFFE70, s5  }
0x85: {  	[sflag:s7] =	ssyncadd.s32 $0xFFFF9C00;
	s10 =	sadd.s32 $0x0, s10;
	p0 =	slt.s32 s14, s28  }
0x86: {  	[hbm4b:s10+s8] =	stream.strided.scatter [tilespmem:s20], [sflag:$0x9], $0x3200, s9, s8, $0x38;
	[tilespmem:$0x19640] =	vst v63  }
0x87: {  	s17 =	smov.u32 @p0 s14  }
0x88: {  	s10 =	sadd.s32 $0xC80, s10;
	s14 =	sshrl.u32 s17, $0x3  }
0x89: {  	[hbm4b:s10+s8] =	stream.strided.scatter [tilespmem:s21], [sflag:$0x9], $0x3200, s9, s8, $0x38;
	[tilespmem:$0x19640] =	vst v63  }
0x8a: {  	s21 =	sadd.s32 s3, s14  }
0x8b: {  	[tilespmem:s2], [sflag:$0x1] =	stream.linear.gather [hbm4b:s21+s2], $0x190, $0x38;
	[tilespmem:$0x19640] =	vst v63  }
0x8c: {  	_ =	swait.ge [sflag:s23], $0x3200  }
0x8d: {  	[sflag:s23] =	ssyncset.done $0x0  }
0x8e: {  	[sflag:s23] =	ssyncadd.s32 $0xFFFFCE00  }
0x8f: {  	_ =	swait.ge [sflag:s23], $0x3200  }
0x90: {  	[sflag:s23] =	ssyncset.done $0x0  }
0x91: {  	[sflag:s23] =	ssyncadd.s32 $0xFFFFCE00  }
0x92: {  	_ =	swait.ge [sflag:s11], $0x190  }
0x93: {  	s22 =	sadd.s32 $0xC8, s22;
	[sflag:s11] =	ssyncset.done $0x0  }
0x94: {  	p0 =	slt.s32 s5, s28;
	s17 =	smov.u32 s28;
	[sflag:s11] =	ssyncadd.s32 $0xFFFFFE70  }
0x95: {  	[tilespmem:s25], [sflag:$0x8] =	stream.indirect.gather [hbm4b:s4+s24], $0x40, s12, s24, $0xb8;
	[tilespmem:$0x19640] =	vst v63  }
0x96: {  	s17 =	smov.u32 @p0 s5;
	s14 =	smov.u32 s26;
	_ =	swait.ge [sflag:s13], $0x6400  }
0x97: {  	s21 =	simm.s32 $0x6400;
	s25 =	rddreg [dreg:$0x3];
	[sflag:s13] =	ssyncset.done $0x0  }
0x98: {  	s12 =	simm.s32 $0x4B0;
	[sflag:s13] =	ssyncadd.s32 $0xFFFF9C00;
	s10 =	sadd.s32 $0x0, s25  }
0x99: {  	[hbm4b:s10+s8] =	stream.strided.scatter [tilespmem:s0], [sflag:$0xA], $0x3200, s9, s8, $0x38;
	[tilespmem:$0x19640] =	vst v63  }
0x9a: {  	s0 =	simm.s32 $0x6A40;
	s20 =	sadd.s32 $0xC80, s10;
	s10 =	smov.u32 s5  }
.LBB2_2:
0x9b: {  	s26 =	sshrl.u32 s17, $0x3;
	s5 =	simm.s32 $0x9C40  }
0x9c: {  	[hbm4b:s20+s8] =	stream.strided.scatter [tilespmem:s5], [sflag:$0xA], $0x3200, s9, s8, $0x38;
	[tilespmem:$0x19640] =	vst v63  }
0x9d: {  	s5 =	sadd.s32 s3, s26  }
0x9e: {  	[tilespmem:s24], [sflag:$0x2] =	stream.linear.gather [hbm4b:s5+s2], $0x190, $0x38;
	[tilespmem:$0x19640] =	vst v63  }
0x9f: {  	_ =	swait.ge [sflag:s15], $0x3200  }
0xa0: {  	[sflag:s15] =	ssyncset.done $0x0  }
0xa1: {  	[sflag:s15] =	ssyncadd.s32 $0xFFFFCE00  }
0xa2: {  	_ =	swait.ge [sflag:s15], $0x3200  }
0xa3: {  	[sflag:s15] =	ssyncset.done $0x0  }
0xa4: {  	s20 =	simm.s32 $0x1;
	[sflag:s15] =	ssyncadd.s32 $0xFFFFCE00  }
0xa5: {  	_ =	swait.ge [sflag:s20], $0x190  }
0xa6: {  	[sflag:s20] =	ssyncset.done $0x0  }
0xa7: {  	[sflag:s20] =	ssyncadd.s32 $0xFFFFFE70  }
0xa8: {  	[tilespmem:s30], [sflag:$0x5] =	stream.indirect.gather [hbm4b:s4+s24], $0x40, s2, s24, $0xb8;
	[tilespmem:$0x19640] =	vst v63  }
0xa9: {  	_ =	swait.ge [sflag:s16], $0x6400  }
0xaa: {  	s17 =	smov.u32 s21;
	[sflag:s16] =	ssyncset.done $0x0;
	s25 =	rddreg [dreg:$0x4]  }
0xab: {  	s5 =	simm.s32 $0xCE40;
	[sflag:s16] =	ssyncadd.s32 $0xFFFF9C00;
	s20 =	sadd.s32 s17, s25  }
0xac: {  	[hbm4b:s20+s8] =	stream.strided.scatter [tilespmem:s5], [sflag:$0xB], $0x3200, s9, s8, $0x38;
	[tilespmem:$0x19640] =	vst v63  }
0xad: {  	s25 =	simm.s32 $0x10040;
	s20 =	sadd.s32 $0xC80, s20  }
0xae: {  	[hbm4b:s20+s8] =	stream.strided.scatter [tilespmem:s25], [sflag:$0xB], $0x3200, s9, s8, $0x38;
	[tilespmem:$0x19640] =	vst v63  }
0xaf: {  	_ = 	snop  }
0xb0: {  	[tilespmem:s31], [sflag:$0x3] =	stream.linear.gather [hbm4b:s22+s2], $0x190, $0x38;
	[tilespmem:$0x19640] =	vst v63  }
0xb1: {  	_ =	swait.ge [sflag:s18], $0x3200  }
0xb2: {  	[sflag:s18] =	ssyncset.done $0x0  }
0xb3: {  	[sflag:s18] =	ssyncadd.s32 $0xFFFFCE00  }
0xb4: {  	_ =	swait.ge [sflag:s18], $0x3200  }
0xb5: {  	[sflag:s18] =	ssyncset.done $0x0  }
0xb6: {  	s26 =	simm.s32 $0x2;
	[sflag:s18] =	ssyncadd.s32 $0xFFFFCE00  }
0xb7: {  	_ =	swait.ge [sflag:s26], $0x190  }
0xb8: {  	[sflag:s26] =	ssyncset.done $0x0  }
0xb9: {  	[sflag:s26] =	ssyncadd.s32 $0xFFFFFE70  }
0xba: {  	[tilespmem:s0], [sflag:$0x6] =	stream.indirect.gather [hbm4b:s4+s24], $0x40, s24, s24, $0xb8;
	[tilespmem:$0x19640] =	vst v63  }
0xbb: {  	_ =	swait.ge [sflag:s19], $0x6400  }
0xbc: {  	[sflag:s19] =	ssyncset.done $0x0;
	s25 =	rddreg [dreg:$0x2]  }
0xbd: {  	[sflag:s19] =	ssyncadd.s32 $0xFFFF9C00;
	s20 =	sadd.s32 s17, s25  }
0xbe: {  	[hbm4b:s20+s8] =	stream.strided.scatter [tilespmem:s29], [sflag:$0xC], $0x3200, s9, s8, $0x38;
	[tilespmem:$0x19640] =	vst v63  }
0xbf: {  	s26 =	simm.s32 $0x16440;
	s20 =	sadd.s32 $0xC80, s20  }
0xc0: {  	[hbm4b:s20+s8] =	stream.strided.scatter [tilespmem:s26], [sflag:$0xC], $0x3200, s9, s8, $0x38;
	[tilespmem:$0x19640] =	vst v63  }
0xc1: {  	s14 =	sadd.s32 $0xC8, s14  }
0xc2: {  	[tilespmem:s12], [sflag:$0x4] =	stream.linear.gather [hbm4b:s14+s2], $0x190, $0x38;
	[tilespmem:$0x19640] =	vst v63  }
0xc3: {  	_ =	swait.ge [sflag:s6], $0x3200  }
0xc4: {  	[sflag:s6] =	ssyncset.done $0x0  }
0xc5: {  	[sflag:s6] =	ssyncadd.s32 $0xFFFFCE00  }
0xc6: {  	_ =	swait.ge [sflag:s6], $0x3200  }
0xc7: {  	[sflag:s6] =	ssyncset.done $0x0  }
0xc8: {  	[sflag:s6] =	ssyncadd.s32 $0xFFFFCE00  }
0xc9: {  	_ =	swait.ge [sflag:s1], $0x190  }
0xca: {  	[sflag:s1] =	ssyncset.done $0x0  }
0xcb: {  	s10 =	sadd.s32 $0x640, s10;
	[sflag:s1] =	ssyncadd.s32 $0xFFFFFE70  }
0xcc: {  	[tilespmem:s5], [sflag:$0x7] =	stream.indirect.gather [hbm4b:s4+s24], $0x40, s31, s24, $0xb8;
	[tilespmem:$0x19640] =	vst v63  }
0xcd: {  	s26 =	sadd.s32 $0xFFFFFE70, s10;
	_ =	swait.ge [sflag:s7], $0x6400  }
0xce: {  	p1 =	slt.s32 s26, s28;
	s5 =	rddreg [dreg:$0x5]  }
0xcf: {  	[sflag:s7] =	ssyncset.done $0x0;
	s20 =	sadd.s32 s17, s5;
	s5 =	smov.u32 s28  }
0xd0: {  	[sflag:s7] =	ssyncadd.s32 $0xFFFF9C00;
	s5 =	smov.u32 @p1 s26  }
0xd1: {  	[hbm4b:s20+s8] =	stream.strided.scatter [tilespmem:s30], [sflag:$0x9], $0x3200, s9, s8, $0x38;
	[tilespmem:$0x19640] =	vst v63  }
0xd2: {  	s20 =	sadd.s32 $0xC80, s20;
	s26 =	simm.s32 $0x3840;
	s5 =	sshrl.u32 s5, $0x3  }
0xd3: {  	[hbm4b:s20+s8] =	stream.strided.scatter [tilespmem:s26], [sflag:$0x9], $0x3200, s9, s8, $0x38;
	[tilespmem:$0x19640] =	vst v63  }
0xd4: {  	s5 =	sadd.s32 s3, s5  }
0xd5: {  	[tilespmem:s2], [sflag:$0x1] =	stream.linear.gather [hbm4b:s5+s2], $0x190, $0x38;
	[tilespmem:$0x19640] =	vst v63  }
0xd6: {  	_ =	swait.ge [sflag:s23], $0x3200  }
0xd7: {  	[sflag:s23] =	ssyncset.done $0x0  }
0xd8: {  	[sflag:s23] =	ssyncadd.s32 $0xFFFFCE00  }
0xd9: {  	_ =	swait.ge [sflag:s23], $0x3200  }
0xda: {  	[sflag:s23] =	ssyncset.done $0x0  }
0xdb: {  	[sflag:s23] =	ssyncadd.s32 $0xFFFFCE00  }
0xdc: {  	_ =	swait.ge [sflag:s11], $0x190  }
0xdd: {  	p0 =	sne.s32 s21, $0x183800;
	[sflag:s11] =	ssyncset.done $0x0  }
0xde: {  	s21 =	sadd.s32 $0x6400, s21;
	s22 =	sadd.s32 $0xC8, s22;
	[sflag:s11] =	ssyncadd.s32 $0xFFFFFE70  }
0xdf: {  	[tilespmem:s29], [sflag:$0x8] =	stream.indirect.gather [hbm4b:s4+s24], $0x40, s12, s24, $0xb8;
	[tilespmem:$0x19640] =	vst v63  }
.Ltmp0:
0xe0: {  	s25 =	simm.s32 $0xCE40;
	_ =	swait.ge [sflag:s13], $0x6400;
	(pc) =	sbr.rel @p0 .LBB2_2-.Ltmp0, $4  }
0xe1: {  	p1 =	slt.s32 s10, s28;
	s26 =	simm.s32 $0x13240;
	s20 =	rddreg [dreg:$0x3]  }
0xe2: {  	[sflag:s13] =	ssyncset.done $0x0;
	s5 =	sadd.s32 s17, s20;
	s17 =	smov.u32 s28  }
0xe3: {  	[sflag:s13] =	ssyncadd.s32 $0xFFFF9C00;
	s20 =	sadd.s32 $0xC80, s5;
	s17 =	smov.u32 @p1 s10  }
0xe4: {  	[hbm4b:s5+s8] =	stream.strided.scatter [tilespmem:s0], [sflag:$0xA], $0x3200, s9, s8, $0x38;
	[tilespmem:$0x19640] =	vst v63  }
0xe5: {  	s5 =	sshrl.u32 s17, $0x3;
	s0 =	simm.s32 $0x9C40  }
0xe6: {  	[hbm4b:s20+s8] =	stream.strided.scatter [tilespmem:s0], [sflag:$0xA], $0x3200, s9, s8, $0x38;
	[tilespmem:$0x19640] =	vst v63  }
0xe7: {  	s5 =	sadd.s32 s3, s5  }
0xe8: {  	[tilespmem:s24], [sflag:$0x2] =	stream.linear.gather [hbm4b:s5+s2], $0x190, $0x38;
	[tilespmem:$0x19640] =	vst v63  }
0xe9: {  	_ =	swait.ge [sflag:s16], $0x6400  }
0xea: {  	[sflag:s16] =	ssyncset.done $0x0  }
0xeb: {  	s10 =	rddreg [dreg:$0x12];
	[sflag:s16] =	ssyncadd.s32 $0xFFFF9C00  }
0xec: {  	[hbm4b:s10+s8] =	stream.strided.scatter [tilespmem:s25], [sflag:$0xB], $0x3200, s9, s8, $0x38;
	[tilespmem:$0x19640] =	vst v63  }
0xed: {  	s14 =	simm.s32 $0x10040;
	s12 =	rddreg [dreg:$0xf]  }
0xee: {  	[hbm4b:s12+s8] =	stream.strided.scatter [tilespmem:s14], [sflag:$0xB], $0x3200, s9, s8, $0x38;
	[tilespmem:$0x19640] =	vst v63  }
0xef: {  	_ =	swait.ge [sflag:s19], $0x6400  }
0xf0: {  	[sflag:s19] =	ssyncset.done $0x0  }
0xf1: {  	s17 =	rddreg [dreg:$0x13];
	[sflag:s19] =	ssyncadd.s32 $0xFFFF9C00  }
0xf2: {  	[hbm4b:s17+s8] =	stream.strided.scatter [tilespmem:s26], [sflag:$0xC], $0x3200, s9, s8, $0x38;
	[tilespmem:$0x19640] =	vst v63  }
0xf3: {  	s21 =	simm.s32 $0x16440;
	s20 =	rddreg [dreg:$0x10]  }
0xf4: {  	[hbm4b:s20+s8] =	stream.strided.scatter [tilespmem:s21], [sflag:$0xC], $0x3200, s9, s8, $0x38;
	[tilespmem:$0x19640] =	vst v63  }
0xf5: {  	_ =	swait.ge [sflag:s15], $0x3200  }
0xf6: {  	[sflag:s15] =	ssyncset.done $0x0  }
0xf7: {  	[sflag:s15] =	ssyncadd.s32 $0xFFFFCE00  }
0xf8: {  	_ =	swait.ge [sflag:s15], $0x3200  }
0xf9: {  	[sflag:s15] =	ssyncset.done $0x0  }
0xfa: {  	[sflag:s15] =	ssyncadd.s32 $0xFFFFCE00  }
0xfb: {  	_ =	swait.ge [sflag:s18], $0x3200  }
0xfc: {  	[sflag:s18] =	ssyncset.done $0x0  }
0xfd: {  	[sflag:s18] =	ssyncadd.s32 $0xFFFFCE00  }
0xfe: {  	_ =	swait.ge [sflag:s18], $0x3200  }
0xff: {  	[sflag:s18] =	ssyncset.done $0x0  }
0x100: {  	[sflag:s18] =	ssyncadd.s32 $0xFFFFCE00  }
0x101: {  	_ =	swait.ge [sflag:s6], $0x3200  }
0x102: {  	[sflag:s6] =	ssyncset.done $0x0  }
0x103: {  	[sflag:s6] =	ssyncadd.s32 $0xFFFFCE00  }
0x104: {  	_ =	swait.ge [sflag:s6], $0x3200  }
0x105: {  	[sflag:s6] =	ssyncset.done $0x0  }
0x106: {  	[sflag:s6] =	ssyncadd.s32 $0xFFFFCE00  }
0x107: {  	_ =	swait.ge [sflag:s23], $0x3200  }
0x108: {  	[sflag:s23] =	ssyncset.done $0x0  }
0x109: {  	[sflag:s23] =	ssyncadd.s32 $0xFFFFCE00  }
0x10a: {  	_ =	swait.ge [sflag:s23], $0x3200  }
0x10b: {  	[sflag:s23] =	ssyncset.done $0x0  }
0x10c: {  	s22 =	simm.s32 $0x1;
	[sflag:s23] =	ssyncadd.s32 $0xFFFFCE00  }
0x10d: {  	_ =	swait.ge [sflag:s22], $0x190  }
0x10e: {  	[sflag:s22] =	ssyncset.done $0x0  }
0x10f: {  	s25 =	simm.s32 $0x2;
	[sflag:s22] =	ssyncadd.s32 $0xFFFFFE70  }
0x110: {  	_ =	swait.ge [sflag:s25], $0x190  }
0x111: {  	s10 =	rddreg [dreg:$0x18]  }
0x112: {  	s26 =	rddreg [dreg:$0x14];
	s10 =	sadd.s32 $0x1, s10  }
0x113: {  	p0 =	sne.s32 s10, s26  }
.Ltmp1:
0x114: {  	_ = 	snop;
	(pc) =	sbr.rel @p0 .LBB2_1-.Ltmp1, $4  }
0x115: {  	_ = 	snop  }
0x116: {  	s0 =	simm.s32 $0x6A40  }
0x117: {  	s14 =	simm.s32 $0x320;
	s12 =	simm.s32 $0x4B0;
	[sflag:s25] =	ssyncset.done $0x0  }
0x118: {  	s20 =	simm.s32 $0x640;
	s21 =	simm.s32 $0x3840;
	[sflag:s25] =	ssyncadd.s32 $0xFFFFFE70  }
0x119: {  	_ =	sfence.sel $0x180000  }
0x11a: {  	[bflag:$0x0] =	sbarrier.arrive $0xFFFF  }
0x11b: {  	_ =	strace $0x90000047  }
0x11c: {  	s0 =	stileid.u32;
	[bflag:$0x2] =	sbarrier.arrive $0xFFFF  }
0x11d: {  	p0 =	sne.s32 s0, $0x0;
	s0 =	rddreg [dreg:$0x1]  }
0x11e: {  	s0 =	sadd.s32 @!p0 $0x100000, s0  }
0x11f: {  	[sflag:s0] =	ssyncadd.tile.s32 @!p0 $0x1;
	_ =	shalt  }
.Lfunc_end2:
_tile_overlayer_lowered:
.L_overlay_start_2:
0x120: {  	(tag) =	ssettag $0x2  }
0x121: {  	s0 =	rddreg [dreg:$0x0];
	s2 =	stileid.u32  }
0x122: {  	s1 =	rddreg [dreg:$0x1];
	p0 =	sne.s32 s2, $0x0  }
0x123: {  	s3 =	rddreg [dreg:$0x2];
	[bflag:$0x3] =	sbarrier.arrive $0xFFFF;
	s2 =	simm.s32 @!p0 $0x1C0D  }
0x124: {  	[timem:s3], [sflag:s2] =	dma.local @!p0 [hbm:s0], s1  }
0x125: {  	s0 =	simm.s32 @!p0 $0xD  }
0x126: {  	_ =	swait.ge @!p0 [sflag:s0], s1  }
0x127: {  	s1 =	ssub.s32 @!p0 $0x0, s1;
	[sflag:s0] =	ssyncset.done @!p0 $0x0  }
0x128: {  	[sflag:s0] =	ssyncadd.s32 @!p0 s1  }
0x129: {  	[bflag:$0x3] =	sbarrier.arrive $0xFFFF  }
0x12a: {  	_ =	shalt  }

// kernel: sparse-core-data-format-call.cloned.1.call-start
scs
called_computation_lowered:
.L_overlay_start_0:
0x0: {  	s2 =	sld [smem:$0x3FD9]  }
0x1: {  	s3 =	sld [smem:$0x3FFE];
	_ =	sdelay $0x1  }
0x2: {  	s1 =	srdreg.scid  }
0x3: {  	s0 =	sand.u32 $0x1, s1  }
0x4: {  	s18 =	sshll.u32 s0, $0xA;
	s2 =	sadd.s32 s3, s2  }
0x5: {  	s2 =	sadd.s32 s2, s18  }
0x6: {  	[smem:$0x3FC6] =	sst s2  }
0x7: {  	_ = 	snop  }
0x8: {  	s2 =	sld [smem:$0x3FD0];
	(tm) =	ssettm $0x1  }
0x9: {  	s19 =	sld [smem:$0x3FFB];
	_ =	sdelay $0x3  }
0xa: {  	_ =	strace s19  }
0xb: {  	s3 =	sld [smem:$0x3FFC];
	_ =	sdelay $0x3  }
0xc: {  	_ =	strace s3  }
0xd: {  	s3 =	sld [smem:$0x3FFD];
	_ =	sdelay $0x3  }
0xe: {  	_ =	strace s3  }
0xf: {  	_ =	strace $0x8FFFFFFF  }
0x10: {  	s20 =	sld [smem:$0x3FDB];
	_ =	sdelay $0x1  }
0x11: {  	s4 =	simm.s32 $_scs_section_size  }
0x12: {  	s5 =	simm.s32 $_size__tile_overlayer_lowered;
	s6 =	simm.s32 $_tile_overlayer_lowered  }
0x13: {  	s23 =	simm.s32 $0x1BFF;
	s22 =	sshll.u32 s6, $0x1;
	s3 =	sadd.s32 s4, s20  }
0x14: {  	s7 =	simm.s32 $0x0;
	s21 =	sshll.u32 s5, $0x1;
	s5 =	sadd.s32 s22, s3  }
0x15: {  	[timem:s7], [sflag:s23] =	dma.local [hbm:s5], s21  }
0x16: {  	_ =	swait.ge [sflag:s23], s21  }
0x17: {  	s4 =	ssub.s32 $0x0, s21;
	[sflag:s23] =	ssyncset.done $0x0  }
0x18: {  	[sflag:s23] =	ssyncadd.s32 s4;
	_ =	sdelay $0x1  }
0x19: {  	s24 =	simm.s32 $0x1B8B  }
0x1a: {  	_ =	swait.ge [sflag:s24], $0x1  }
0x1b: {  	[sflag:s24] =	ssyncset.done $0x0  }
0x1c: {  	s26 =	simm.s32 $0x1B8E;
	s25 =	sld [smem:$0x3FFE];
	[sflag:s24] =	ssyncadd.s32 $0xFFFFFFFF  }
0x1d: {  	s27 =	simm.s32 $execute0_lowered;
	[smem:$0x3FD2] =	sst s26  }
0x1e: {  	s5 =	sshll.u32 s27, $0x1;
	_ =	strace $0x80000049;
	[dreg:$0x1] =	wrdreg $0xFFFFFFFF  }
0x1f: {  	s28 =	simm.s32 $_size_execute0_lowered;
	s3 =	sadd.s32 s3, s5;
	[dreg:$0x0] =	wrdreg $0x0  }
0x20: {  	s5 =	sshll.u32 s28, $0x1;
	[dreg:$0x2] =	wrdreg s3  }
0x21: {  	[dreg:$0x3] =	wrdreg s5  }
0x22: {  	[dreg:$0x4] =	wrdreg $0xC0  }
0x23: {  	_ =	task [dreg:s7], $0x5FFFF  }
0x24: {  	[dreg:$0x1] =	wrdreg $0xFFFFFFFF  }
0x25: {  	[dreg:$0x0] =	wrdreg $0x60  }
0x26: {  	[dreg:$0x2] =	wrdreg s25  }
0x27: {  	[dreg:$0x3] =	wrdreg s2  }
0x28: {  	[dreg:$0x4] =	wrdreg $0x9  }
0x29: {  	_ =	task.clear_ibuf [dreg:s7], $0x5FFFF;
	_ =	strace $0x90000049  }
0x2a: {  	s29 =	simm.s32 $0x9;
	_ =	strace $0x8000004B  }
0x2b: {  	_ =	swait.ge [sflag:s29], $0x1  }
0x2c: {  	[sflag:s29] =	ssyncadd.s32 $0xFFFFFFFF  }
0x2d: {  	_ =	strace $0x9000004B  }
0x2e: {  	_ =	sfence  }
0x2f: {  	s30 =	sld [smem:$0x0];
	_ =	sdelay $0x2  }
0x30: {  	s31 =	sshll.u32 s1, $0xD;
	s1 =	sshrl.u32 s1, $0x2  }
0x31: {  	s3 =	sand.u32 $0x4000, s31;
	s1 =	sadd.s32 s1, s30  }
0x32: {  	s0 =	sor.u32 s3, s0;
	s1 =	sshll.u32 s1, $0x11  }
0x33: {  	s0 =	sor.u32 s1, s0  }
0x34: {  	s0 =	sadd.s32 $0x8F2B, s0  }
0x35: {  	[sflag:s0] =	ssyncadd.remote.s32 $0x1  }
0x36: {  	_ =	sfence.sel $0xFFFF  }
0x37: {  	[dreg:$0x0] =	wrdreg $0xFFFFFFFF;
	(pc) =	sbr.abs _section_cstart, $3  }
0x38: {  	[dreg:$0x1] =	wrdreg $0xFFFFFFFF  }
0x39: {  	_ =	task.clear_ibuf [dreg:s7], $0x2FFFF;
	_ =	strace $0x9FFFFFFF  }
0x3a: {  	(tm) =	ssettm $0x7FFFFFFF  }
0x3b: {  	_ =	shalt  }
tec
execute0_lowered:
.L_overlay_start_1:
0x0: {  	(tag) =	ssettag $0x1  }
0x1: {  	s0 =	srdreg.scid  }
0x2: {  	s1 =	sshll.u32 s0, $0x4  }
0x3: {  	s0 =	stileid.u32;
	s1 =	sand.u32 $0x10, s1  }
0x4: {  	s1 =	sor.u32 s0, s1  }
0x5: {  	s6 =	rddreg [dreg:$0x0];
	s4 =	simm.s32 $0x1;
	s2 =	sshll.u32 s1, $0x7  }
0x6: {  	s7 =	simm.s32 $0x2;
	s12 =	simm.s32 $0x0;
	s1 =	ssub.s32 $0x4000, s2  }
0x7: {  	s8 =	simm.s32 $0x20000;
	s13 =	simm.s32 $0x0;
	s3 =	sand.u32 $0xF80, s1  }
0x8: {  	s9 =	simm.s32 $0x0;
	s5 =	sshrl.u32 s1, $0xC;
	p0 =	sne.s32 s3, $0x0  }
.Ltmp0:
0x9: {  	s1 =	rddreg [dreg:$0x2];
	s4 =	simm.s32 @!p0 $0x0;
	(pc) =	sbr.rel .LBB1_1-.Ltmp0, $4  }
0xa: {  	s11 =	simm.s32 $0x0;
	s3 =	rddreg [dreg:$0x1];
	s5 =	sadd.s32 s4, s5  }
0xb: {  	_ =	strace $0x8000004A;
	s4 =	simm.s32 $0x1;
	s5 =	smul.u32 $0xC8, s5  }
0xc: {  	s6 =	sadd.s32 $0x805A00, s6;
	s10 =	smov.u32 s2;
	[sflag:s4] =	ssyncpa.u1 $0x0  }
0xd: {  	p0 =	por $0x0, $0x0;
	[sflag:s7] =	ssyncpa.u1 $0x0;
	s7 =	sor.u32 $0x1, s5  }
.LBB1_4:
0xe: {  	s16 =	sshll.u32 s13, $0x3;
	s17 =	sand.u32 $0x78, s13  }
0xf: {  	s30 =	sand.u32 $0x1F800, s13;
	s12 =	sshll.u32 s12, $0x11;
	s16 =	sand.u32 $0x3C00, s16  }
0x10: {  	[tilespmem:s15+$0x810 ss:$0x81] =	vst.msk $0xffff, v2;
	s31 =	sand.u32 $0x7, s13;
	s16 =	sor.u32 s17, s16;
	s17 =	sadd.s32 s3, s30  }
0x11: {  	[tilespmem:s15+$0x1020 ss:$0x81] =	vst.msk $0xffff, v0;
	s13 =	sshll.u32 s31, $0x12;
	s12 =	sadd.s32 s12, s17;
	s16 =	sshrl.u32 s16, $0x3  }
0x12: {  	[tilespmem:s15+$0x0 ss:$0x81] =	vst.msk $0xffff, v1;
	s13 =	sor.u32 $0x400, s13;
	s12 =	sadd.s32 s16, s12  }
0x13: {  	[hbm4b:s12+s13] =	stream.strided.scatter [tilespmem:s14], [sflag:$0x2], $0x2000, s8, s13, $0x20;
	[tilespmem:$0x8080] =	vst v63  }
.LBB1_5:
0x14: {  	s14 =	sadd.s32 $0x1, s9  }
0x15: {  	s12 =	sadd.s32 $0x1000, s10;
	s16 =	smov.u32 s10;
	p2 =	sgt.s32 s14, $0xC7  }
0x16: {  	s16 =	smov.u32 @p2 s12  }
0x17: {  	s14 =	simm.s32 @p2 $0x0;
	p2 =	sgt.s32 s16, $0x3FFF  }
0x18: {  	s16 =	smov.u32 @p2 s2;
	p2 =	sne.s32 s11, s7  }
.Ltmp1:
0x19: {  	p1 =	slt.u32 s11, $0x2;
	(pc) =	sbr.rel @!p2 .LBB1_6-.Ltmp1, $4  }
0x1a: {  	s15 =	simm.s32 @!p1 $0x2  }
0x1b: {  	s13 =	smov.u32 s10;
	p0 =	por !p0, !p0;
	_ =	swait.ge @!p1 [sflag:s15], $0x2000  }
0x1c: {  	s12 =	smov.u32 s9;
	[sflag:s15] =	ssyncset.done @!p1 $0x0;
	s9 =	smov.u32 s14  }
0x1d: {  	s11 =	sadd.s32 $0x1, s11;
	[sflag:s15] =	ssyncadd.s32 @!p1 $0xFFFFE000;
	s10 =	smov.u32 s16  }
.LBB1_1:
0x1e: {  	p1 =	sge.u32 s11, s5  }
0x1f: {  	s14 =	sand.u32 @!p1 $0x1FFFFFF, s9  }
0x20: {  	s15 =	smulhi.u32 @!p1 $0x147AE15, s14;
	_ =	sdelay $0x1  }
0x21: {  	s15 =	smul.u32 @!p1 $0xC8, s15  }
0x22: {  	s16 =	sxor.u32 @!p1 $0xFFFFFFFF, s11;
	s17 =	smul.u32 @!p1 $0xC80, s10  }
0x23: {  	s31 =	sadd.s32 $0xFFFFFFFF, s11;
	s16 =	sshll.u32 @!p1 s16, $0xD;
	s14 =	ssub.s32 @!p1 s14, s15  }
0x24: {  	s15 =	sand.u32 @!p1 $0x2000, s16;
	s16 =	sadd.s32 @!p1 s6, s17;
	s14 =	sshll.u32 @!p1 s14, $0x4  }
0x25: {  	s17 =	simm.s32 @!p1 $0x6400;
	s14 =	sadd.s32 @!p1 s14, s16;
	s16 =	simm.s32 @!p1 $0x40  }
0x26: {  	[tilespmem:s15], [sflag:$0x1] =	stream.strided.gather @!p1 [hbm4b:s14+s16], $0x2000, s17, s16, $0x38;
	[tilespmem:$0x8080] =	vst v63  }
0x27: {  	p1 =	sge.u32 s31, s5  }
.Ltmp2:
0x28: {  	_ = 	snop;
	(pc) =	sbr.rel @p1 .LBB1_5-.Ltmp2, $1  }
0x29: {  	_ =	sdelay $0x3  }
0x2a: {  	s14 =	simm.s32 $0x1  }
0x2b: {  	_ =	swait.ge [sflag:s4], $0x2000;
	s14 =	simm.s32 @!p0 $0x0  }
0x2c: {  	[sflag:s4] =	ssyncset.done $0x0;
	s15 =	sshll.u32 s14, $0xD  }
0x2d: {  	[sflag:s4] =	ssyncadd.s32 $0xFFFFE000;
	s18 =	sor.u32 $0x20, s15  }
0x2e: {  	s14 =	smul.u32 $0x8100, s14;
	v3 =	vld [tilespmem:s18+$0x10]  }
0x2f: {  	s30 =	sand.u32 $0x1, s11;
	v2 =	vld [tilespmem:s18+$0xFFFFFFF0]  }
0x30: {  	s15 =	smul.u32 $0x8100, s30;
	s14 =	sshrl.u32 s14, $0x2;
	v0 =	vld [tilespmem:s18+$0x0]  }
0x31: {  	v1 =	vld [tilespmem:s18+$0xFFFFFFE0];
	s16 =	sor.u32 $0x4000, s14  }
0x32: {  	s31 =	sshrl.u32 s15, $0x2;
	s15 =	sadd.s32 $0x0, s16  }
0x33: {  	s17 =	simm.s32 $0x4;
	s18 =	sadd.s32 $0x40, s18;
	s14 =	sor.u32 $0x4000, s31;
	[tilespmem:s15+$0x1830 ss:$0x81] =	vst.msk $0xffff, v3  }
.LBB1_3:
0x34: {  	v3 =	vld [tilespmem:s18+$0x10];
	p1 =	sne.s32 s17, $0x1FC;
	[tilespmem:s15+$0x810 ss:$0x81] =	vst.msk $0xffff, v2;
	s19 =	smov.u32 s17;
	s17 =	sadd.s32 $0x4, s17  }
.Ltmp3:
0x35: {  	v2 =	vld [tilespmem:s18+$0xFFFFFFF0];
	[tilespmem:s15+$0x1020 ss:$0x81] =	vst.msk $0xffff, v0;
	(pc) =	sbr.rel @p1 .LBB1_3-.Ltmp3, $4  }
0x36: {  	v0 =	vld [tilespmem:s18+$0x0];
	[tilespmem:s15+$0x0 ss:$0x81] =	vst.msk $0xffff, v1  }
0x37: {  	s15 =	sshra.s32 s19, $0x2;
	v1 =	vld [tilespmem:s18+$0xFFFFFFE0]  }
0x38: {  	s15 =	sadd.s32 s15, s16  }
0x39: {  	s18 =	sadd.s32 $0x40, s18;
	[tilespmem:s15+$0x1830 ss:$0x81] =	vst.msk $0xffff, v3  }
.Ltmp4:
0x3a: {  	_ = 	snop;
	(pc) =	sbr.rel .LBB1_4-.Ltmp4, $1  }
0x3b: {  	_ =	sdelay $0x3  }
.LBB1_6:
0x3c: {  	_ =	sfence.sel $0x180000  }
0x3d: {  	s2 =	simm.s32 $0x1;
	[bflag:$0x0] =	sbarrier.arrive $0xFFFF  }
0x3e: {  	s31 =	simm.s32 $0x2;
	[sflag:s2] =	ssyncpa.u1 $0x1  }
0x3f: {  	[sflag:s31] =	ssyncpa.u1 $0x1  }
0x40: {  	p0 =	sne.s32 s0, $0x0;
	_ =	strace $0x9000004A  }
0x41: {  	s0 =	sadd.s32 @!p0 $0x100000, s1;
	[bflag:$0x2] =	sbarrier.arrive $0xFFFF  }
0x42: {  	[sflag:s0] =	ssyncadd.tile.s32 @!p0 $0x1;
	_ =	shalt  }
.Lfunc_end1:
_tile_overlayer_lowered:
.L_overlay_start_2:
0x43: {  	(tag) =	ssettag $0x2  }
0x44: {  	s0 =	rddreg [dreg:$0x0];
	s2 =	stileid.u32  }
0x45: {  	s1 =	rddreg [dreg:$0x1];
	p0 =	sne.s32 s2, $0x0  }
0x46: {  	s3 =	rddreg [dreg:$0x2];
	[bflag:$0x3] =	sbarrier.arrive $0xFFFF;
	s2 =	simm.s32 @!p0 $0x1C01  }
0x47: {  	[timem:s3], [sflag:s2] =	dma.local @!p0 [hbm:s0], s1  }
0x48: {  	s0 =	simm.s32 @!p0 $0x1  }
0x49: {  	_ =	swait.ge @!p0 [sflag:s0], s1  }
0x4a: {  	s1 =	ssub.s32 @!p0 $0x0, s1;
	[sflag:s0] =	ssyncset.done @!p0 $0x0  }
0x4b: {  	[sflag:s0] =	ssyncadd.s32 @!p0 s1  }
0x4c: {  	[bflag:$0x3] =	sbarrier.arrive $0xFFFF  }
0x4d: {  	_ =	shalt  }

</sc_bundles>
